<compile_context>
chip_gen: v7x
topology: tpu7x:2x2x1
jax: 0.10.2.dev20260603
libtpu: 0.0.44.dev20260713+nightly
codegen_flags: <defaults>
</compile_context>

<pallas_src>
import functools

import jax
import jax.numpy as jnp
from jax import lax
from jax.experimental import pallas as pl
from jax.experimental.pallas import tpu as pltpu
from jax.experimental.pallas import tpu_sc as plsc

E = 64
K = 2
D = 1024
F = 512
T = 2048
A = T * K
B = 128
NB = (A + (B - 1) * E) // B + 1
TP = NB * B

_NC = 2
_NS = 16
_NW = _NC * _NS


_CH = 128
_NCH = T // _CH


def _router_body(x_ref, gw_ref, route_ref, meta_ref):
    x = x_ref[...]
    gw = gw_ref[...]
    logits = lax.dot_general(x, gw, (((1,), (1,)), ((), ())),
                             preferred_element_type=jnp.float32)
    m = jnp.max(logits, axis=1, keepdims=True)
    ex = jnp.exp(logits - m)
    probs = ex / jnp.sum(ex, axis=1, keepdims=True)
    iota = lax.broadcasted_iota(jnp.int32, (T, E), 1)
    l1 = jnp.max(logits, axis=1, keepdims=True)
    i1 = jnp.min(jnp.where(logits == l1, iota, E), axis=1, keepdims=True)
    masked = jnp.where(iota == i1, -jnp.inf, logits)
    l2 = jnp.max(masked, axis=1, keepdims=True)
    i2 = jnp.min(jnp.where(masked == l2, iota, E), axis=1, keepdims=True)
    p1v = jnp.sum(jnp.where(iota == i1, probs, 0.0), axis=1, keepdims=True)
    p2v = jnp.sum(jnp.where(iota == i2, probs, 0.0), axis=1, keepdims=True)
    s = p1v + p2v
    w1v = p1v / s
    w2v = p2v / s

    oh1 = (iota == i1).astype(jnp.float32)
    oh2 = (iota == i2).astype(jnp.float32)
    oh = oh1 + oh2
    r_i = lax.broadcasted_iota(jnp.int32, (_CH, _CH), 0)
    c_i = lax.broadcasted_iota(jnp.int32, (_CH, _CH), 1)
    ls = (c_i < r_i).astype(jnp.float32)
    pieces = []
    excl = jnp.zeros((1, E), jnp.float32)
    for c in range(_NCH):
        ohc = oh[c * _CH:(c + 1) * _CH]
        cg = lax.dot_general(ls, ohc, (((1,), (0,)), ((), ())),
                             preferred_element_type=jnp.float32)
        pieces.append(cg + excl)
        excl = excl + jnp.sum(ohc, axis=0, keepdims=True)
    cnt = jnp.concatenate(pieces, axis=0)
    counts = excl
    rank1 = jnp.sum(oh1 * cnt, axis=1, keepdims=True)
    rank2 = jnp.sum(oh2 * cnt, axis=1, keepdims=True)
    padded = jnp.floor((counts + (B - 1)) * (1.0 / B)) * B
    eu_r = lax.broadcasted_iota(jnp.int32, (E, E), 0)
    eu_c = lax.broadcasted_iota(jnp.int32, (E, E), 1)
    ustr = (eu_r < eu_c).astype(jnp.float32)
    offs = lax.dot_general(padded, ustr, (((1,), (0,)), ((), ())),
                           preferred_element_type=jnp.float32)
    p1 = jnp.sum(oh1 * offs, axis=1, keepdims=True) + rank1
    p2 = jnp.sum(oh2 * offs, axis=1, keepdims=True) + rank2

    lane = lax.broadcasted_iota(jnp.int32, (T, 128), 1)
    route = jnp.where(lane == 0, w1v,
            jnp.where(lane == 1, w2v,
            jnp.where(lane == 2, p1,
            jnp.where(lane == 3, p2, 0.0))))
    route_ref[...] = route

    gidc = lax.broadcasted_iota(jnp.int32, (NB, 1), 0).astype(jnp.float32)
    gb = gidc * B
    be_raw = jnp.sum((offs <= gb).astype(jnp.float32),
                     axis=1, keepdims=True) - 1.0
    total = jnp.sum(padded, axis=1, keepdims=True)
    real = gb < total
    maxbe = jnp.max(jnp.where(real, be_raw, 0.0), axis=0, keepdims=True)
    be = jnp.where(real, be_raw, maxbe)
    bxs = jnp.where(real, gidc, 0.0)
    bys = jnp.where(real, gidc, float(NB))
    lane8 = lax.broadcasted_iota(jnp.int32, (NB, 8), 1)
    meta = jnp.where(lane8 == 0, be,
           jnp.where(lane8 == 1, bxs,
           jnp.where(lane8 == 2, bys, 0.0)))
    meta_ref[...] = meta


def _run_router(x, gate_w):
    return pl.pallas_call(
        _router_body,
        out_shape=[jax.ShapeDtypeStruct((T, 128), jnp.float32),
                   jax.ShapeDtypeStruct((NB, 8), jnp.float32)],
    )(x, gate_w)


def _expert_body(be_ref, bxs_ref, bys_ref, xs_ref, w1_ref, w3_ref, w2_ref,
                 rw_ref, ys_ref):
    xs = xs_ref[...]
    a = lax.dot_general(xs, w1_ref[0], (((1,), (1,)), ((), ())),
                        preferred_element_type=jnp.float32)
    b = lax.dot_general(xs, w3_ref[0], (((1,), (1,)), ((), ())),
                        preferred_element_type=jnp.float32)
    h = (a / (1.0 + jnp.exp(-a))) * b
    y = lax.dot_general(h, w2_ref[0], (((1,), (1,)), ((), ())),
                        preferred_element_type=jnp.float32)
    ys_ref[...] = y * rw_ref[...][:, 0:1]


def _run_experts(block_expert, bxs, bys, xs, w1, w3, w2, rw):
    grid_spec = pltpu.PrefetchScalarGridSpec(
        num_scalar_prefetch=3,
        grid=(NB,),
        in_specs=[
            pl.BlockSpec((B, D), lambda g, be, bx, by: (bx[g], 0)),
            pl.BlockSpec((1, F, D), lambda g, be, bx, by: (be[g], 0, 0)),
            pl.BlockSpec((1, F, D), lambda g, be, bx, by: (be[g], 0, 0)),
            pl.BlockSpec((1, D, F), lambda g, be, bx, by: (be[g], 0, 0)),
            pl.BlockSpec((B, 8), lambda g, be, bx, by: (bx[g], 0)),
        ],
        out_specs=pl.BlockSpec((B, D), lambda g, be, bx, by: (by[g], 0)),
    )
    return pl.pallas_call(
        _expert_body,
        grid_spec=grid_spec,
        out_shape=jax.ShapeDtypeStruct((TP + B, D), jnp.float32),
    )(block_expert, bxs, bys, xs, w1, w3, w2, rw)


_G_APW = A // _NW
_G_CH = 32
_G_NCH = _G_APW // _G_CH


def _sc_gather_body(x_hbm, tsrc_hbm, pdst_hbm, out_hbm,
                    t0, t1, t2, t3, d0, d1, d2, d3,
                    rows, g0, g1, g2, s0, s1, s2):
    wid = lax.axis_index("s") * _NC + lax.axis_index("c")
    base = wid * _G_APW
    tbufs = (t0, t1, t2, t3)
    dbufs = (d0, d1, d2, d3)
    gsems = (g0, g1, g2)
    ssems = (s0, s1, s2)
    for c in range(_G_NCH):
        pltpu.sync_copy(tsrc_hbm.at[pl.ds(base + c * _G_CH, _G_CH)], tbufs[c])
        pltpu.sync_copy(pdst_hbm.at[pl.ds(base + c * _G_CH, _G_CH)], dbufs[c])

    def gather(c):
        return pltpu.async_copy(x_hbm.at[tbufs[c]], rows.at[c % 3],
                                gsems[c % 3])

    def scatter(c):
        return pltpu.async_copy(rows.at[c % 3], out_hbm.at[dbufs[c]],
                                ssems[c % 3])

    gw0 = gather(0)
    gw1 = gather(1)
    gw0.wait()
    sw0 = scatter(0)
    gw2 = gather(2)
    gw1.wait()
    sw1 = scatter(1)
    sw0.wait()
    gw3 = gather(3)
    gw2.wait()
    sw2 = scatter(2)
    gw3.wait()
    sw3 = scatter(3)
    sw1.wait()
    sw2.wait()
    sw3.wait()


def _run_sc_gather(x, tsrc, pdst):
    mesh = plsc.VectorSubcoreMesh(core_axis_name="c", subcore_axis_name="s")
    idx_t = [pltpu.VMEM((_G_CH,), jnp.int32) for _ in range(4)]
    idx_d = [pltpu.VMEM((_G_CH,), jnp.int32) for _ in range(4)]
    return pl.kernel(
        _sc_gather_body,
        out_type=jax.ShapeDtypeStruct((TP, D), jnp.float32),
        mesh=mesh,
        scratch_types=idx_t + idx_d + [
            pltpu.VMEM((3, _G_CH, D), jnp.float32),
            pltpu.SemaphoreType.DMA,
            pltpu.SemaphoreType.DMA,
            pltpu.SemaphoreType.DMA,
            pltpu.SemaphoreType.DMA,
            pltpu.SemaphoreType.DMA,
            pltpu.SemaphoreType.DMA,
        ],
    )(x, tsrc, pdst)


_C_TPW = T // _NW
_C_CH = 32
_C_NCH = _C_TPW // _C_CH


def _sc_combine_body(ys_hbm, p_hbm, out_hbm, idx_v, rows_v, out_v, sem):
    wid = lax.axis_index("s") * _NC + lax.axis_index("c")

    def chunk(c, carry):
        tbase = wid * _C_TPW + c * _C_CH
        pltpu.sync_copy(p_hbm.at[pl.ds(tbase * K, _C_CH * K)], idx_v)
        pltpu.async_copy(ys_hbm.at[idx_v], rows_v, sem).wait()

        def per_token(t, c1):
            def per_vec(j, c2):
                sl = pl.ds(j * 16, 16)
                out_v[t, sl] = rows_v[2 * t, sl] + rows_v[2 * t + 1, sl]
                return c2
            return lax.fori_loop(0, D // 16, per_vec, c1)

        lax.fori_loop(0, _C_CH, per_token, 0)
        pltpu.sync_copy(out_v, out_hbm.at[pl.ds(tbase, _C_CH)])
        return carry

    lax.fori_loop(0, _C_NCH, chunk, 0)


def _run_sc_combine(ys, pflat):
    mesh = plsc.VectorSubcoreMesh(core_axis_name="c", subcore_axis_name="s")
    return pl.kernel(
        _sc_combine_body,
        out_type=jax.ShapeDtypeStruct((T, D), jnp.float32),
        mesh=mesh,
        scratch_types=[
            pltpu.VMEM((_C_CH * K,), jnp.int32),
            pltpu.VMEM((_C_CH * K, D), jnp.float32),
            pltpu.VMEM((_C_CH, D), jnp.float32),
            pltpu.SemaphoreType.DMA,
        ],
    )(ys, pflat)


def kernel(hidden_states, gate_w, w1, w2, w3):
    orig_shape = hidden_states.shape
    x = hidden_states.reshape(-1, D)

    route, meta = _run_router(x, gate_w)
    w_flat = route[:, :K].reshape(A)
    p = route[:, K:2 * K].astype(jnp.int32).reshape(A)

    metai = meta.astype(jnp.int32)
    block_expert = metai[:, 0]
    bxs = metai[:, 1]
    bys = metai[:, 2]

    t_flat = jnp.arange(A, dtype=jnp.int32) // K
    roww = jnp.zeros((TP,), jnp.float32).at[p].set(w_flat)
    rw = jnp.broadcast_to(roww[:, None], (TP, 8))

    xs = _run_sc_gather(x, t_flat, p)
    ys = _run_experts(block_expert, bxs, bys, xs, w1, w3, w2, rw)
    out = _run_sc_combine(ys, p)
    return out.reshape(orig_shape)

# --- scband reference (transcript-rebuilt; emitter-appended) ---
"""Pipeline reference for scband-fused-mo-eblock-953482740194 (READ-ONLY COPY).

The authoritative reference and input builder live on the scoring server;
editing this copy changes nothing except your own understanding.
"""

import jax, jax.numpy as jnp
import numpy as np

E = 64
K = 2
D = 1024
F = 512


def setup_inputs(seed: int = 0) -> dict:
    key = jax.random.key(seed)
    ks = jax.random.split(key, 5)
    hidden_states = jax.random.normal(ks[0], (1, 2048, D), dtype=jnp.float32)
    gate_w = jax.random.normal(ks[1], (E, D), dtype=jnp.float32) * 0.02
    w1 = jax.random.normal(ks[2], (E, F, D), dtype=jnp.float32) * 0.02
    w3 = jax.random.normal(ks[3], (E, F, D), dtype=jnp.float32) * 0.02
    w2 = jax.random.normal(ks[4], (E, D, F), dtype=jnp.float32) * 0.02
    return {"hidden_states": hidden_states, "gate_w": gate_w, "w1": w1, "w2": w2, "w3": w3}


def reference(hidden_states, gate_w, w1, w2, w3):
    orig_shape = hidden_states.shape
    hidden_dim = orig_shape[-1]
    x = hidden_states.reshape(-1, hidden_dim)
    # gate (ReplicatedLinear, no bias)
    router_logits = x @ gate_w.T
    # FusedMoE routing: softmax -> top_k -> renormalize
    probs = jax.nn.softmax(router_logits, axis=-1)
    topk_vals, topk_idx = jax.lax.top_k(probs, K)
    topk_vals = topk_vals / jnp.sum(topk_vals, axis=-1, keepdims=True)
    out = jnp.zeros_like(x)
    for e in range(E):
        mask = (topk_idx == e).astype(x.dtype)
        w = jnp.sum(topk_vals * mask, axis=-1)
        # SwiGLU expert MLP: silu(x @ w1^T) * (x @ w3^T) @ w2^T
        h = jax.nn.silu(x @ w1[e].T) * (x @ w3[e].T)
        ye = h @ w2[e].T
        out = out + w[:, None] * ye
    return out.reshape(orig_shape)

if __name__ == "__main__":
    import jax
    _d = setup_inputs()
    print(jax.jit(kernel)(*tuple(_d.values())))

</pallas_src>

<mosaic_0001>
#map = affine_map<(d0, d1) -> (0, 0)>
#map1 = affine_map<(d0, d1) -> (0)>
module attributes {stable_mosaic.version = 14 : i64} {
  func.func @_sc_gather_body(%arg0: i32, %arg1: i32, %arg2: memref<2048x1024xf32, #tpu.memory_space<hbm>>, %arg3: memref<4096xi32, #tpu.memory_space<hbm>>, %arg4: memref<4096xi32, #tpu.memory_space<hbm>>, %arg5: memref<12288x1024xf32, #tpu.memory_space<hbm>>, %arg6: memref<32xi32, #tpu.memory_space<vmem>>, %arg7: memref<32xi32, #tpu.memory_space<vmem>>, %arg8: memref<32xi32, #tpu.memory_space<vmem>>, %arg9: memref<32xi32, #tpu.memory_space<vmem>>, %arg10: memref<32xi32, #tpu.memory_space<vmem>>, %arg11: memref<32xi32, #tpu.memory_space<vmem>>, %arg12: memref<32xi32, #tpu.memory_space<vmem>>, %arg13: memref<32xi32, #tpu.memory_space<vmem>>, %arg14: memref<3x32x1024xf32, #tpu.memory_space<vmem>>, %arg15: memref<!tpu.dma_semaphore, #tpu.memory_space<semaphore_mem>>, %arg16: memref<!tpu.dma_semaphore, #tpu.memory_space<semaphore_mem>>, %arg17: memref<!tpu.dma_semaphore, #tpu.memory_space<semaphore_mem>>, %arg18: memref<!tpu.dma_semaphore, #tpu.memory_space<semaphore_mem>>, %arg19: memref<!tpu.dma_semaphore, #tpu.memory_space<semaphore_mem>>, %arg20: memref<!tpu.dma_semaphore, #tpu.memory_space<semaphore_mem>>) attributes {dimension_semantics = [#tpu.dimension_semantics<core_parallel>, #tpu.dimension_semantics<subcore_parallel>], iteration_bounds = array<i64: 2, 16>, scalar_prefetch = 0 : i64, scratch_operands = 15 : i64, tpu.core_type = #tpu.core_type<sc_vector_subcore>, window_params = [{transform_indices = #map}, {transform_indices = #map1}, {transform_indices = #map1}, {transform_indices = #map}]} {
    %mul3A = arith.constant 2 : i32
    %mul3A_0 = arith.muli %arg1, %mul3A : i32
    %add3A = arith.addi %mul3A_0, %arg0 : i32
    %mul3A_1 = arith.constant 128 : i32
    %mul3A_2 = arith.muli %add3A, %mul3A_1 : i32
    %add3A_3 = arith.constant 0 : i32
    %add3A_4 = arith.addi %mul3A_2, %add3A_3 : i32
    "tpu.region"() ({
      %run_scoped3A = tpu.sem_alloc : memref<!tpu.dma_semaphore, #tpu.memory_space<semaphore_mem>>
      %dma_start3A_145 = tpu.memref_slice %arg3[%add3A_4] : memref<4096xi32, #tpu.memory_space<hbm>> -> memref<32xi32, #tpu.memory_space<hbm>>
      %dma_start3A_146 = tpu.memref_slice %arg3[%add3A_4] : memref<4096xi32, #tpu.memory_space<hbm>> -> memref<32xi32, #tpu.memory_space<hbm>>
      tpu.enqueue_dma source(%dma_start3A_146 : memref<32xi32, #tpu.memory_space<hbm>>) target(%arg6 : memref<32xi32, #tpu.memory_space<vmem>>) target_semaphore(%run_scoped3A : memref<!tpu.dma_semaphore, #tpu.memory_space<semaphore_mem>>)
      %dma_wait3A_147 = tpu.memref_slice %arg3[%add3A_4] : memref<4096xi32, #tpu.memory_space<hbm>> -> memref<32xi32, #tpu.memory_space<hbm>>
      %dma_wait3A_148 = tpu.memref_slice %arg3[%add3A_4] : memref<4096xi32, #tpu.memory_space<hbm>> -> memref<32xi32, #tpu.memory_space<hbm>>
      tpu.wait_dma2 semaphore(%run_scoped3A : memref<!tpu.dma_semaphore, #tpu.memory_space<semaphore_mem>>) src(%dma_wait3A_148 : memref<32xi32, #tpu.memory_space<hbm>>) dst(%arg6 : memref<32xi32, #tpu.memory_space<vmem>>)
      tpu.yield
    }) : () -> ()
    %add3A_5 = arith.constant 0 : i32
    %add3A_6 = arith.addi %mul3A_2, %add3A_5 : i32
    "tpu.region"() ({
      %run_scoped3A = tpu.sem_alloc : memref<!tpu.dma_semaphore, #tpu.memory_space<semaphore_mem>>
      %dma_start3A_145 = tpu.memref_slice %arg4[%add3A_6] : memref<4096xi32, #tpu.memory_space<hbm>> -> memref<32xi32, #tpu.memory_space<hbm>>
      %dma_start3A_146 = tpu.memref_slice %arg4[%add3A_6] : memref<4096xi32, #tpu.memory_space<hbm>> -> memref<32xi32, #tpu.memory_space<hbm>>
      tpu.enqueue_dma source(%dma_start3A_146 : memref<32xi32, #tpu.memory_space<hbm>>) target(%arg10 : memref<32xi32, #tpu.memory_space<vmem>>) target_semaphore(%run_scoped3A : memref<!tpu.dma_semaphore, #tpu.memory_space<semaphore_mem>>)
      %dma_wait3A_147 = tpu.memref_slice %arg4[%add3A_6] : memref<4096xi32, #tpu.memory_space<hbm>> -> memref<32xi32, #tpu.memory_space<hbm>>
      %dma_wait3A_148 = tpu.memref_slice %arg4[%add3A_6] : memref<4096xi32, #tpu.memory_space<hbm>> -> memref<32xi32, #tpu.memory_space<hbm>>
      tpu.wait_dma2 semaphore(%run_scoped3A : memref<!tpu.dma_semaphore, #tpu.memory_space<semaphore_mem>>) src(%dma_wait3A_148 : memref<32xi32, #tpu.memory_space<hbm>>) dst(%arg10 : memref<32xi32, #tpu.memory_space<vmem>>)
      tpu.yield
    }) : () -> ()
    %add3A_7 = arith.constant 32 : i32
    %add3A_8 = arith.addi %mul3A_2, %add3A_7 : i32
    "tpu.region"() ({
      %run_scoped3A = tpu.sem_alloc : memref<!tpu.dma_semaphore, #tpu.memory_space<semaphore_mem>>
      %dma_start3A_145 = tpu.memref_slice %arg3[%add3A_8] : memref<4096xi32, #tpu.memory_space<hbm>> -> memref<32xi32, #tpu.memory_space<hbm>>
      %dma_start3A_146 = tpu.memref_slice %arg3[%add3A_8] : memref<4096xi32, #tpu.memory_space<hbm>> -> memref<32xi32, #tpu.memory_space<hbm>>
      tpu.enqueue_dma source(%dma_start3A_146 : memref<32xi32, #tpu.memory_space<hbm>>) target(%arg7 : memref<32xi32, #tpu.memory_space<vmem>>) target_semaphore(%run_scoped3A : memref<!tpu.dma_semaphore, #tpu.memory_space<semaphore_mem>>)
      %dma_wait3A_147 = tpu.memref_slice %arg3[%add3A_8] : memref<4096xi32, #tpu.memory_space<hbm>> -> memref<32xi32, #tpu.memory_space<hbm>>
      %dma_wait3A_148 = tpu.memref_slice %arg3[%add3A_8] : memref<4096xi32, #tpu.memory_space<hbm>> -> memref<32xi32, #tpu.memory_space<hbm>>
      tpu.wait_dma2 semaphore(%run_scoped3A : memref<!tpu.dma_semaphore, #tpu.memory_space<semaphore_mem>>) src(%dma_wait3A_148 : memref<32xi32, #tpu.memory_space<hbm>>) dst(%arg7 : memref<32xi32, #tpu.memory_space<vmem>>)
      tpu.yield
    }) : () -> ()
    %add3A_9 = arith.constant 32 : i32
    %add3A_10 = arith.addi %mul3A_2, %add3A_9 : i32
    "tpu.region"() ({
      %run_scoped3A = tpu.sem_alloc : memref<!tpu.dma_semaphore, #tpu.memory_space<semaphore_mem>>
      %dma_start3A_145 = tpu.memref_slice %arg4[%add3A_10] : memref<4096xi32, #tpu.memory_space<hbm>> -> memref<32xi32, #tpu.memory_space<hbm>>
      %dma_start3A_146 = tpu.memref_slice %arg4[%add3A_10] : memref<4096xi32, #tpu.memory_space<hbm>> -> memref<32xi32, #tpu.memory_space<hbm>>
      tpu.enqueue_dma source(%dma_start3A_146 : memref<32xi32, #tpu.memory_space<hbm>>) target(%arg11 : memref<32xi32, #tpu.memory_space<vmem>>) target_semaphore(%run_scoped3A : memref<!tpu.dma_semaphore, #tpu.memory_space<semaphore_mem>>)
      %dma_wait3A_147 = tpu.memref_slice %arg4[%add3A_10] : memref<4096xi32, #tpu.memory_space<hbm>> -> memref<32xi32, #tpu.memory_space<hbm>>
      %dma_wait3A_148 = tpu.memref_slice %arg4[%add3A_10] : memref<4096xi32, #tpu.memory_space<hbm>> -> memref<32xi32, #tpu.memory_space<hbm>>
      tpu.wait_dma2 semaphore(%run_scoped3A : memref<!tpu.dma_semaphore, #tpu.memory_space<semaphore_mem>>) src(%dma_wait3A_148 : memref<32xi32, #tpu.memory_space<hbm>>) dst(%arg11 : memref<32xi32, #tpu.memory_space<vmem>>)
      tpu.yield
    }) : () -> ()
    %add3A_11 = arith.constant 64 : i32
    %add3A_12 = arith.addi %mul3A_2, %add3A_11 : i32
    "tpu.region"() ({
      %run_scoped3A = tpu.sem_alloc : memref<!tpu.dma_semaphore, #tpu.memory_space<semaphore_mem>>
      %dma_start3A_145 = tpu.memref_slice %arg3[%add3A_12] : memref<4096xi32, #tpu.memory_space<hbm>> -> memref<32xi32, #tpu.memory_space<hbm>>
      %dma_start3A_146 = tpu.memref_slice %arg3[%add3A_12] : memref<4096xi32, #tpu.memory_space<hbm>> -> memref<32xi32, #tpu.memory_space<hbm>>
      tpu.enqueue_dma source(%dma_start3A_146 : memref<32xi32, #tpu.memory_space<hbm>>) target(%arg8 : memref<32xi32, #tpu.memory_space<vmem>>) target_semaphore(%run_scoped3A : memref<!tpu.dma_semaphore, #tpu.memory_space<semaphore_mem>>)
      %dma_wait3A_147 = tpu.memref_slice %arg3[%add3A_12] : memref<4096xi32, #tpu.memory_space<hbm>> -> memref<32xi32, #tpu.memory_space<hbm>>
      %dma_wait3A_148 = tpu.memref_slice %arg3[%add3A_12] : memref<4096xi32, #tpu.memory_space<hbm>> -> memref<32xi32, #tpu.memory_space<hbm>>
      tpu.wait_dma2 semaphore(%run_scoped3A : memref<!tpu.dma_semaphore, #tpu.memory_space<semaphore_mem>>) src(%dma_wait3A_148 : memref<32xi32, #tpu.memory_space<hbm>>) dst(%arg8 : memref<32xi32, #tpu.memory_space<vmem>>)
      tpu.yield
    }) : () -> ()
    %add3A_13 = arith.constant 64 : i32
    %add3A_14 = arith.addi %mul3A_2, %add3A_13 : i32
    "tpu.region"() ({
      %run_scoped3A = tpu.sem_alloc : memref<!tpu.dma_semaphore, #tpu.memory_space<semaphore_mem>>
      %dma_start3A_145 = tpu.memref_slice %arg4[%add3A_14] : memref<4096xi32, #tpu.memory_space<hbm>> -> memref<32xi32, #tpu.memory_space<hbm>>
      %dma_start3A_146 = tpu.memref_slice %arg4[%add3A_14] : memref<4096xi32, #tpu.memory_space<hbm>> -> memref<32xi32, #tpu.memory_space<hbm>>
      tpu.enqueue_dma source(%dma_start3A_146 : memref<32xi32, #tpu.memory_space<hbm>>) target(%arg12 : memref<32xi32, #tpu.memory_space<vmem>>) target_semaphore(%run_scoped3A : memref<!tpu.dma_semaphore, #tpu.memory_space<semaphore_mem>>)
      %dma_wait3A_147 = tpu.memref_slice %arg4[%add3A_14] : memref<4096xi32, #tpu.memory_space<hbm>> -> memref<32xi32, #tpu.memory_space<hbm>>
      %dma_wait3A_148 = tpu.memref_slice %arg4[%add3A_14] : memref<4096xi32, #tpu.memory_space<hbm>> -> memref<32xi32, #tpu.memory_space<hbm>>
      tpu.wait_dma2 semaphore(%run_scoped3A : memref<!tpu.dma_semaphore, #tpu.memory_space<semaphore_mem>>) src(%dma_wait3A_148 : memref<32xi32, #tpu.memory_space<hbm>>) dst(%arg12 : memref<32xi32, #tpu.memory_space<vmem>>)
      tpu.yield
    }) : () -> ()
    %add3A_15 = arith.constant 96 : i32
    %add3A_16 = arith.addi %mul3A_2, %add3A_15 : i32
    "tpu.region"() ({
      %run_scoped3A = tpu.sem_alloc : memref<!tpu.dma_semaphore, #tpu.memory_space<semaphore_mem>>
      %dma_start3A_145 = tpu.memref_slice %arg3[%add3A_16] : memref<4096xi32, #tpu.memory_space<hbm>> -> memref<32xi32, #tpu.memory_space<hbm>>
      %dma_start3A_146 = tpu.memref_slice %arg3[%add3A_16] : memref<4096xi32, #tpu.memory_space<hbm>> -> memref<32xi32, #tpu.memory_space<hbm>>
      tpu.enqueue_dma source(%dma_start3A_146 : memref<32xi32, #tpu.memory_space<hbm>>) target(%arg9 : memref<32xi32, #tpu.memory_space<vmem>>) target_semaphore(%run_scoped3A : memref<!tpu.dma_semaphore, #tpu.memory_space<semaphore_mem>>)
      %dma_wait3A_147 = tpu.memref_slice %arg3[%add3A_16] : memref<4096xi32, #tpu.memory_space<hbm>> -> memref<32xi32, #tpu.memory_space<hbm>>
      %dma_wait3A_148 = tpu.memref_slice %arg3[%add3A_16] : memref<4096xi32, #tpu.memory_space<hbm>> -> memref<32xi32, #tpu.memory_space<hbm>>
      tpu.wait_dma2 semaphore(%run_scoped3A : memref<!tpu.dma_semaphore, #tpu.memory_space<semaphore_mem>>) src(%dma_wait3A_148 : memref<32xi32, #tpu.memory_space<hbm>>) dst(%arg9 : memref<32xi32, #tpu.memory_space<vmem>>)
      tpu.yield
    }) : () -> ()
    %add3A_17 = arith.constant 96 : i32
    %add3A_18 = arith.addi %mul3A_2, %add3A_17 : i32
    "tpu.region"() ({
      %run_scoped3A = tpu.sem_alloc : memref<!tpu.dma_semaphore, #tpu.memory_space<semaphore_mem>>
      %dma_start3A_145 = tpu.memref_slice %arg4[%add3A_18] : memref<4096xi32, #tpu.memory_space<hbm>> -> memref<32xi32, #tpu.memory_space<hbm>>
      %dma_start3A_146 = tpu.memref_slice %arg4[%add3A_18] : memref<4096xi32, #tpu.memory_space<hbm>> -> memref<32xi32, #tpu.memory_space<hbm>>
      tpu.enqueue_dma source(%dma_start3A_146 : memref<32xi32, #tpu.memory_space<hbm>>) target(%arg13 : memref<32xi32, #tpu.memory_space<vmem>>) target_semaphore(%run_scoped3A : memref<!tpu.dma_semaphore, #tpu.memory_space<semaphore_mem>>)
      %dma_wait3A_147 = tpu.memref_slice %arg4[%add3A_18] : memref<4096xi32, #tpu.memory_space<hbm>> -> memref<32xi32, #tpu.memory_space<hbm>>
      %dma_wait3A_148 = tpu.memref_slice %arg4[%add3A_18] : memref<4096xi32, #tpu.memory_space<hbm>> -> memref<32xi32, #tpu.memory_space<hbm>>
      tpu.wait_dma2 semaphore(%run_scoped3A : memref<!tpu.dma_semaphore, #tpu.memory_space<semaphore_mem>>) src(%dma_wait3A_148 : memref<32xi32, #tpu.memory_space<hbm>>) dst(%arg13 : memref<32xi32, #tpu.memory_space<vmem>>)
      tpu.yield
    }) : () -> ()
    %dma_start3A = arith.constant 0 : i32
    %dma_start3A_19 = arith.constant 0 : i32
    %dma_start3A_20 = arith.constant 0 : i32
    %dma_start3A_21 = tpu.memref_slice %arg14[%dma_start3A, %dma_start3A_19, %dma_start3A_20] : memref<3x32x1024xf32, #tpu.memory_space<vmem>> -> memref<1x32x1024xf32, #tpu.memory_space<vmem>>
    %dma_start3A_22 = tpu.memref_squeeze %dma_start3A_21 : memref<1x32x1024xf32, #tpu.memory_space<vmem>> -> memref<32x1024xf32, #tpu.memory_space<vmem>>
    %dma_start3A_23 = arith.constant 0 : i32
    %dma_start3A_24 = arith.constant 0 : i32
    %dma_start3A_25 = tpu.memref_slice %arg2[%dma_start3A_23, %dma_start3A_24] : memref<2048x1024xf32, #tpu.memory_space<hbm>> -> memref<2048x1024xf32, #tpu.memory_space<hbm>>
    tpu.enqueue_indirect_dma source(%dma_start3A_25 : memref<2048x1024xf32, #tpu.memory_space<hbm>>) target(%dma_start3A_22 : memref<32x1024xf32, #tpu.memory_space<vmem>>) offsets(%arg6 : memref<32xi32, #tpu.memory_space<vmem>>) semaphore(%arg15 : memref<!tpu.dma_semaphore, #tpu.memory_space<semaphore_mem>>)
    %dma_start3A_26 = arith.constant 1 : i32
    %dma_start3A_27 = arith.constant 0 : i32
    %dma_start3A_28 = arith.constant 0 : i32
    %dma_start3A_29 = tpu.memref_slice %arg14[%dma_start3A_26, %dma_start3A_27, %dma_start3A_28] : memref<3x32x1024xf32, #tpu.memory_space<vmem>> -> memref<1x32x1024xf32, #tpu.memory_space<vmem>>
    %dma_start3A_30 = tpu.memref_squeeze %dma_start3A_29 : memref<1x32x1024xf32, #tpu.memory_space<vmem>> -> memref<32x1024xf32, #tpu.memory_space<vmem>>
    %dma_start3A_31 = arith.constant 0 : i32
    %dma_start3A_32 = arith.constant 0 : i32
    %dma_start3A_33 = tpu.memref_slice %arg2[%dma_start3A_31, %dma_start3A_32] : memref<2048x1024xf32, #tpu.memory_space<hbm>> -> memref<2048x1024xf32, #tpu.memory_space<hbm>>
    tpu.enqueue_indirect_dma source(%dma_start3A_33 : memref<2048x1024xf32, #tpu.memory_space<hbm>>) target(%dma_start3A_30 : memref<32x1024xf32, #tpu.memory_space<vmem>>) offsets(%arg7 : memref<32xi32, #tpu.memory_space<vmem>>) semaphore(%arg16 : memref<!tpu.dma_semaphore, #tpu.memory_space<semaphore_mem>>)
    %dma_wait3A = arith.constant 0 : i32
    %dma_wait3A_34 = arith.constant 0 : i32
    %dma_wait3A_35 = arith.constant 0 : i32
    %dma_wait3A_36 = tpu.memref_slice %arg14[%dma_wait3A, %dma_wait3A_34, %dma_wait3A_35] : memref<3x32x1024xf32, #tpu.memory_space<vmem>> -> memref<1x32x1024xf32, #tpu.memory_space<vmem>>
    %dma_wait3A_37 = tpu.memref_squeeze %dma_wait3A_36 : memref<1x32x1024xf32, #tpu.memory_space<vmem>> -> memref<32x1024xf32, #tpu.memory_space<vmem>>
    %dma_wait3A_38 = arith.constant 0 : i32
    %dma_wait3A_39 = arith.constant 0 : i32
    %dma_wait3A_40 = tpu.memref_slice %arg2[%dma_wait3A_38, %dma_wait3A_39] : memref<2048x1024xf32, #tpu.memory_space<hbm>> -> memref<2048x1024xf32, #tpu.memory_space<hbm>>
    tpu.wait_indirect_dma semaphore(%arg15 : memref<!tpu.dma_semaphore, #tpu.memory_space<semaphore_mem>>) src(%dma_wait3A_40 : memref<2048x1024xf32, #tpu.memory_space<hbm>>) dst(%dma_wait3A_37 : memref<32x1024xf32, #tpu.memory_space<vmem>>)
    %dma_start3A_41 = arith.constant 0 : i32
    %dma_start3A_42 = arith.constant 0 : i32
    %dma_start3A_43 = arith.constant 0 : i32
    %dma_start3A_44 = tpu.memref_slice %arg14[%dma_start3A_41, %dma_start3A_42, %dma_start3A_43] : memref<3x32x1024xf32, #tpu.memory_space<vmem>> -> memref<1x32x1024xf32, #tpu.memory_space<vmem>>
    %dma_start3A_45 = tpu.memref_squeeze %dma_start3A_44 : memref<1x32x1024xf32, #tpu.memory_space<vmem>> -> memref<32x1024xf32, #tpu.memory_space<vmem>>
    %dma_start3A_46 = arith.constant 0 : i32
    %dma_start3A_47 = arith.constant 0 : i32
    %dma_start3A_48 = tpu.memref_slice %arg5[%dma_start3A_46, %dma_start3A_47] : memref<12288x1024xf32, #tpu.memory_space<hbm>> -> memref<12288x1024xf32, #tpu.memory_space<hbm>>
    tpu.enqueue_indirect_dma source(%dma_start3A_45 : memref<32x1024xf32, #tpu.memory_space<vmem>>) target(%dma_start3A_48 : memref<12288x1024xf32, #tpu.memory_space<hbm>>) offsets(%arg10 : memref<32xi32, #tpu.memory_space<vmem>>) semaphore(%arg18 : memref<!tpu.dma_semaphore, #tpu.memory_space<semaphore_mem>>)
    %dma_start3A_49 = arith.constant 2 : i32
    %dma_start3A_50 = arith.constant 0 : i32
    %dma_start3A_51 = arith.constant 0 : i32
    %dma_start3A_52 = tpu.memref_slice %arg14[%dma_start3A_49, %dma_start3A_50, %dma_start3A_51] : memref<3x32x1024xf32, #tpu.memory_space<vmem>> -> memref<1x32x1024xf32, #tpu.memory_space<vmem>>
    %dma_start3A_53 = tpu.memref_squeeze %dma_start3A_52 : memref<1x32x1024xf32, #tpu.memory_space<vmem>> -> memref<32x1024xf32, #tpu.memory_space<vmem>>
    %dma_start3A_54 = arith.constant 0 : i32
    %dma_start3A_55 = arith.constant 0 : i32
    %dma_start3A_56 = tpu.memref_slice %arg2[%dma_start3A_54, %dma_start3A_55] : memref<2048x1024xf32, #tpu.memory_space<hbm>> -> memref<2048x1024xf32, #tpu.memory_space<hbm>>
    tpu.enqueue_indirect_dma source(%dma_start3A_56 : memref<2048x1024xf32, #tpu.memory_space<hbm>>) target(%dma_start3A_53 : memref<32x1024xf32, #tpu.memory_space<vmem>>) offsets(%arg8 : memref<32xi32, #tpu.memory_space<vmem>>) semaphore(%arg17 : memref<!tpu.dma_semaphore, #tpu.memory_space<semaphore_mem>>)
    %dma_wait3A_57 = arith.constant 1 : i32
    %dma_wait3A_58 = arith.constant 0 : i32
    %dma_wait3A_59 = arith.constant 0 : i32
    %dma_wait3A_60 = tpu.memref_slice %arg14[%dma_wait3A_57, %dma_wait3A_58, %dma_wait3A_59] : memref<3x32x1024xf32, #tpu.memory_space<vmem>> -> memref<1x32x1024xf32, #tpu.memory_space<vmem>>
    %dma_wait3A_61 = tpu.memref_squeeze %dma_wait3A_60 : memref<1x32x1024xf32, #tpu.memory_space<vmem>> -> memref<32x1024xf32, #tpu.memory_space<vmem>>
    %dma_wait3A_62 = arith.constant 0 : i32
    %dma_wait3A_63 = arith.constant 0 : i32
    %dma_wait3A_64 = tpu.memref_slice %arg2[%dma_wait3A_62, %dma_wait3A_63] : memref<2048x1024xf32, #tpu.memory_space<hbm>> -> memref<2048x1024xf32, #tpu.memory_space<hbm>>
    tpu.wait_indirect_dma semaphore(%arg16 : memref<!tpu.dma_semaphore, #tpu.memory_space<semaphore_mem>>) src(%dma_wait3A_64 : memref<2048x1024xf32, #tpu.memory_space<hbm>>) dst(%dma_wait3A_61 : memref<32x1024xf32, #tpu.memory_space<vmem>>)
    %dma_start3A_65 = arith.constant 1 : i32
    %dma_start3A_66 = arith.constant 0 : i32
    %dma_start3A_67 = arith.constant 0 : i32
    %dma_start3A_68 = tpu.memref_slice %arg14[%dma_start3A_65, %dma_start3A_66, %dma_start3A_67] : memref<3x32x1024xf32, #tpu.memory_space<vmem>> -> memref<1x32x1024xf32, #tpu.memory_space<vmem>>
    %dma_start3A_69 = tpu.memref_squeeze %dma_start3A_68 : memref<1x32x1024xf32, #tpu.memory_space<vmem>> -> memref<32x1024xf32, #tpu.memory_space<vmem>>
    %dma_start3A_70 = arith.constant 0 : i32
    %dma_start3A_71 = arith.constant 0 : i32
    %dma_start3A_72 = tpu.memref_slice %arg5[%dma_start3A_70, %dma_start3A_71] : memref<12288x1024xf32, #tpu.memory_space<hbm>> -> memref<12288x1024xf32, #tpu.memory_space<hbm>>
    tpu.enqueue_indirect_dma source(%dma_start3A_69 : memref<32x1024xf32, #tpu.memory_space<vmem>>) target(%dma_start3A_72 : memref<12288x1024xf32, #tpu.memory_space<hbm>>) offsets(%arg11 : memref<32xi32, #tpu.memory_space<vmem>>) semaphore(%arg19 : memref<!tpu.dma_semaphore, #tpu.memory_space<semaphore_mem>>)
    %dma_wait3A_73 = arith.constant 0 : i32
    %dma_wait3A_74 = arith.constant 0 : i32
    %dma_wait3A_75 = arith.constant 0 : i32
    %dma_wait3A_76 = tpu.memref_slice %arg14[%dma_wait3A_73, %dma_wait3A_74, %dma_wait3A_75] : memref<3x32x1024xf32, #tpu.memory_space<vmem>> -> memref<1x32x1024xf32, #tpu.memory_space<vmem>>
    %dma_wait3A_77 = tpu.memref_squeeze %dma_wait3A_76 : memref<1x32x1024xf32, #tpu.memory_space<vmem>> -> memref<32x1024xf32, #tpu.memory_space<vmem>>
    %dma_wait3A_78 = arith.constant 0 : i32
    %dma_wait3A_79 = arith.constant 0 : i32
    %dma_wait3A_80 = tpu.memref_slice %arg5[%dma_wait3A_78, %dma_wait3A_79] : memref<12288x1024xf32, #tpu.memory_space<hbm>> -> memref<12288x1024xf32, #tpu.memory_space<hbm>>
    tpu.wait_indirect_dma semaphore(%arg18 : memref<!tpu.dma_semaphore, #tpu.memory_space<semaphore_mem>>) src(%dma_wait3A_77 : memref<32x1024xf32, #tpu.memory_space<vmem>>) dst(%dma_wait3A_80 : memref<12288x1024xf32, #tpu.memory_space<hbm>>)
    %dma_start3A_81 = arith.constant 0 : i32
    %dma_start3A_82 = arith.constant 0 : i32
    %dma_start3A_83 = arith.constant 0 : i32
    %dma_start3A_84 = tpu.memref_slice %arg14[%dma_start3A_81, %dma_start3A_82, %dma_start3A_83] : memref<3x32x1024xf32, #tpu.memory_space<vmem>> -> memref<1x32x1024xf32, #tpu.memory_space<vmem>>
    %dma_start3A_85 = tpu.memref_squeeze %dma_start3A_84 : memref<1x32x1024xf32, #tpu.memory_space<vmem>> -> memref<32x1024xf32, #tpu.memory_space<vmem>>
    %dma_start3A_86 = arith.constant 0 : i32
    %dma_start3A_87 = arith.constant 0 : i32
    %dma_start3A_88 = tpu.memref_slice %arg2[%dma_start3A_86, %dma_start3A_87] : memref<2048x1024xf32, #tpu.memory_space<hbm>> -> memref<2048x1024xf32, #tpu.memory_space<hbm>>
    tpu.enqueue_indirect_dma source(%dma_start3A_88 : memref<2048x1024xf32, #tpu.memory_space<hbm>>) target(%dma_start3A_85 : memref<32x1024xf32, #tpu.memory_space<vmem>>) offsets(%arg9 : memref<32xi32, #tpu.memory_space<vmem>>) semaphore(%arg15 : memref<!tpu.dma_semaphore, #tpu.memory_space<semaphore_mem>>)
    %dma_wait3A_89 = arith.constant 2 : i32
    %dma_wait3A_90 = arith.constant 0 : i32
    %dma_wait3A_91 = arith.constant 0 : i32
    %dma_wait3A_92 = tpu.memref_slice %arg14[%dma_wait3A_89, %dma_wait3A_90, %dma_wait3A_91] : memref<3x32x1024xf32, #tpu.memory_space<vmem>> -> memref<1x32x1024xf32, #tpu.memory_space<vmem>>
    %dma_wait3A_93 = tpu.memref_squeeze %dma_wait3A_92 : memref<1x32x1024xf32, #tpu.memory_space<vmem>> -> memref<32x1024xf32, #tpu.memory_space<vmem>>
    %dma_wait3A_94 = arith.constant 0 : i32
    %dma_wait3A_95 = arith.constant 0 : i32
    %dma_wait3A_96 = tpu.memref_slice %arg2[%dma_wait3A_94, %dma_wait3A_95] : memref<2048x1024xf32, #tpu.memory_space<hbm>> -> memref<2048x1024xf32, #tpu.memory_space<hbm>>
    tpu.wait_indirect_dma semaphore(%arg17 : memref<!tpu.dma_semaphore, #tpu.memory_space<semaphore_mem>>) src(%dma_wait3A_96 : memref<2048x1024xf32, #tpu.memory_space<hbm>>) dst(%dma_wait3A_93 : memref<32x1024xf32, #tpu.memory_space<vmem>>)
    %dma_start3A_97 = arith.constant 2 : i32
    %dma_start3A_98 = arith.constant 0 : i32
    %dma_start3A_99 = arith.constant 0 : i32
    %dma_start3A_100 = tpu.memref_slice %arg14[%dma_start3A_97, %dma_start3A_98, %dma_start3A_99] : memref<3x32x1024xf32, #tpu.memory_space<vmem>> -> memref<1x32x1024xf32, #tpu.memory_space<vmem>>
    %dma_start3A_101 = tpu.memref_squeeze %dma_start3A_100 : memref<1x32x1024xf32, #tpu.memory_space<vmem>> -> memref<32x1024xf32, #tpu.memory_space<vmem>>
    %dma_start3A_102 = arith.constant 0 : i32
    %dma_start3A_103 = arith.constant 0 : i32
    %dma_start3A_104 = tpu.memref_slice %arg5[%dma_start3A_102, %dma_start3A_103] : memref<12288x1024xf32, #tpu.memory_space<hbm>> -> memref<12288x1024xf32, #tpu.memory_space<hbm>>
    tpu.enqueue_indirect_dma source(%dma_start3A_101 : memref<32x1024xf32, #tpu.memory_space<vmem>>) target(%dma_start3A_104 : memref<12288x1024xf32, #tpu.memory_space<hbm>>) offsets(%arg12 : memref<32xi32, #tpu.memory_space<vmem>>) semaphore(%arg20 : memref<!tpu.dma_semaphore, #tpu.memory_space<semaphore_mem>>)
    %dma_wait3A_105 = arith.constant 0 : i32
    %dma_wait3A_106 = arith.constant 0 : i32
    %dma_wait3A_107 = arith.constant 0 : i32
    %dma_wait3A_108 = tpu.memref_slice %arg14[%dma_wait3A_105, %dma_wait3A_106, %dma_wait3A_107] : memref<3x32x1024xf32, #tpu.memory_space<vmem>> -> memref<1x32x1024xf32, #tpu.memory_space<vmem>>
    %dma_wait3A_109 = tpu.memref_squeeze %dma_wait3A_108 : memref<1x32x1024xf32, #tpu.memory_space<vmem>> -> memref<32x1024xf32, #tpu.memory_space<vmem>>
    %dma_wait3A_110 = arith.constant 0 : i32
    %dma_wait3A_111 = arith.constant 0 : i32
    %dma_wait3A_112 = tpu.memref_slice %arg2[%dma_wait3A_110, %dma_wait3A_111] : memref<2048x1024xf32, #tpu.memory_space<hbm>> -> memref<2048x1024xf32, #tpu.memory_space<hbm>>
    tpu.wait_indirect_dma semaphore(%arg15 : memref<!tpu.dma_semaphore, #tpu.memory_space<semaphore_mem>>) src(%dma_wait3A_112 : memref<2048x1024xf32, #tpu.memory_space<hbm>>) dst(%dma_wait3A_109 : memref<32x1024xf32, #tpu.memory_space<vmem>>)
    %dma_start3A_113 = arith.constant 0 : i32
    %dma_start3A_114 = arith.constant 0 : i32
    %dma_start3A_115 = arith.constant 0 : i32
    %dma_start3A_116 = tpu.memref_slice %arg14[%dma_start3A_113, %dma_start3A_114, %dma_start3A_115] : memref<3x32x1024xf32, #tpu.memory_space<vmem>> -> memref<1x32x1024xf32, #tpu.memory_space<vmem>>
    %dma_start3A_117 = tpu.memref_squeeze %dma_start3A_116 : memref<1x32x1024xf32, #tpu.memory_space<vmem>> -> memref<32x1024xf32, #tpu.memory_space<vmem>>
    %dma_start3A_118 = arith.constant 0 : i32
    %dma_start3A_119 = arith.constant 0 : i32
    %dma_start3A_120 = tpu.memref_slice %arg5[%dma_start3A_118, %dma_start3A_119] : memref<12288x1024xf32, #tpu.memory_space<hbm>> -> memref<12288x1024xf32, #tpu.memory_space<hbm>>
    tpu.enqueue_indirect_dma source(%dma_start3A_117 : memref<32x1024xf32, #tpu.memory_space<vmem>>) target(%dma_start3A_120 : memref<12288x1024xf32, #tpu.memory_space<hbm>>) offsets(%arg13 : memref<32xi32, #tpu.memory_space<vmem>>) semaphore(%arg18 : memref<!tpu.dma_semaphore, #tpu.memory_space<semaphore_mem>>)
    %dma_wait3A_121 = arith.constant 1 : i32
    %dma_wait3A_122 = arith.constant 0 : i32
    %dma_wait3A_123 = arith.constant 0 : i32
    %dma_wait3A_124 = tpu.memref_slice %arg14[%dma_wait3A_121, %dma_wait3A_122, %dma_wait3A_123] : memref<3x32x1024xf32, #tpu.memory_space<vmem>> -> memref<1x32x1024xf32, #tpu.memory_space<vmem>>
    %dma_wait3A_125 = tpu.memref_squeeze %dma_wait3A_124 : memref<1x32x1024xf32, #tpu.memory_space<vmem>> -> memref<32x1024xf32, #tpu.memory_space<vmem>>
    %dma_wait3A_126 = arith.constant 0 : i32
    %dma_wait3A_127 = arith.constant 0 : i32
    %dma_wait3A_128 = tpu.memref_slice %arg5[%dma_wait3A_126, %dma_wait3A_127] : memref<12288x1024xf32, #tpu.memory_space<hbm>> -> memref<12288x1024xf32, #tpu.memory_space<hbm>>
    tpu.wait_indirect_dma semaphore(%arg19 : memref<!tpu.dma_semaphore, #tpu.memory_space<semaphore_mem>>) src(%dma_wait3A_125 : memref<32x1024xf32, #tpu.memory_space<vmem>>) dst(%dma_wait3A_128 : memref<12288x1024xf32, #tpu.memory_space<hbm>>)
    %dma_wait3A_129 = arith.constant 2 : i32
    %dma_wait3A_130 = arith.constant 0 : i32
    %dma_wait3A_131 = arith.constant 0 : i32
    %dma_wait3A_132 = tpu.memref_slice %arg14[%dma_wait3A_129, %dma_wait3A_130, %dma_wait3A_131] : memref<3x32x1024xf32, #tpu.memory_space<vmem>> -> memref<1x32x1024xf32, #tpu.memory_space<vmem>>
    %dma_wait3A_133 = tpu.memref_squeeze %dma_wait3A_132 : memref<1x32x1024xf32, #tpu.memory_space<vmem>> -> memref<32x1024xf32, #tpu.memory_space<vmem>>
    %dma_wait3A_134 = arith.constant 0 : i32
    %dma_wait3A_135 = arith.constant 0 : i32
    %dma_wait3A_136 = tpu.memref_slice %arg5[%dma_wait3A_134, %dma_wait3A_135] : memref<12288x1024xf32, #tpu.memory_space<hbm>> -> memref<12288x1024xf32, #tpu.memory_space<hbm>>
    tpu.wait_indirect_dma semaphore(%arg20 : memref<!tpu.dma_semaphore, #tpu.memory_space<semaphore_mem>>) src(%dma_wait3A_133 : memref<32x1024xf32, #tpu.memory_space<vmem>>) dst(%dma_wait3A_136 : memref<12288x1024xf32, #tpu.memory_space<hbm>>)
    %dma_wait3A_137 = arith.constant 0 : i32
    %dma_wait3A_138 = arith.constant 0 : i32
    %dma_wait3A_139 = arith.constant 0 : i32
    %dma_wait3A_140 = tpu.memref_slice %arg14[%dma_wait3A_137, %dma_wait3A_138, %dma_wait3A_139] : memref<3x32x1024xf32, #tpu.memory_space<vmem>> -> memref<1x32x1024xf32, #tpu.memory_space<vmem>>
    %dma_wait3A_141 = tpu.memref_squeeze %dma_wait3A_140 : memref<1x32x1024xf32, #tpu.memory_space<vmem>> -> memref<32x1024xf32, #tpu.memory_space<vmem>>
    %dma_wait3A_142 = arith.constant 0 : i32
    %dma_wait3A_143 = arith.constant 0 : i32
    %dma_wait3A_144 = tpu.memref_slice %arg5[%dma_wait3A_142, %dma_wait3A_143] : memref<12288x1024xf32, #tpu.memory_space<hbm>> -> memref<12288x1024xf32, #tpu.memory_space<hbm>>
    tpu.wait_indirect_dma semaphore(%arg18 : memref<!tpu.dma_semaphore, #tpu.memory_space<semaphore_mem>>) src(%dma_wait3A_141 : memref<32x1024xf32, #tpu.memory_space<vmem>>) dst(%dma_wait3A_144 : memref<12288x1024xf32, #tpu.memory_space<hbm>>)
    return
  }
}

#map = affine_map<(d0, d1) -> (0, 0)>
#map1 = affine_map<(d0, d1) -> (0)>
module attributes {stable_mosaic.version = 14 : i64} {
  func.func @_sc_combine_body(%arg0: i32, %arg1: i32, %arg2: memref<12416x1024xf32, #tpu.memory_space<hbm>>, %arg3: memref<4096xi32, #tpu.memory_space<hbm>>, %arg4: memref<2048x1024xf32, #tpu.memory_space<hbm>>, %arg5: memref<64xi32, #tpu.memory_space<vmem>>, %arg6: memref<64x1024xf32, #tpu.memory_space<vmem>>, %arg7: memref<32x1024xf32, #tpu.memory_space<vmem>>, %arg8: memref<!tpu.dma_semaphore, #tpu.memory_space<semaphore_mem>>) attributes {dimension_semantics = [#tpu.dimension_semantics<core_parallel>, #tpu.dimension_semantics<subcore_parallel>], iteration_bounds = array<i64: 2, 16>, scalar_prefetch = 0 : i64, scratch_operands = 4 : i64, tpu.core_type = #tpu.core_type<sc_vector_subcore>, window_params = [{transform_indices = #map}, {transform_indices = #map1}, {transform_indices = #map}]} {
    %mul3A = arith.constant 2 : i32
    %mul3A_0 = arith.muli %arg1, %mul3A : i32
    %add3A = arith.addi %mul3A_0, %arg0 : i32
    %scan3A = arith.constant 0 : i32
    %scan3A_1 = arith.constant 0 : i32
    %scan3A_2 = arith.constant 2 : i32
    %scan3A_3 = arith.addi %scan3A_1, %scan3A_2 : i32
    %scan3A_4 = arith.constant 1 : i32
    scf.for %scan3A_6 = %scan3A_1 to %scan3A_3 step %scan3A_4  : i32 {
      %mul3A_7 = arith.constant 64 : i32
      %mul3A_8 = arith.muli %add3A, %mul3A_7 : i32
      %mul3A_9 = arith.constant 32 : i32
      %mul3A_10 = arith.muli %scan3A_6, %mul3A_9 : i32
      %add3A_11 = arith.addi %mul3A_8, %mul3A_10 : i32
      %mul3A_12 = arith.constant 2 : i32
      %mul3A_13 = arith.muli %add3A_11, %mul3A_12 : i32
      "tpu.region"() ({
        %run_scoped3A = tpu.sem_alloc : memref<!tpu.dma_semaphore, #tpu.memory_space<semaphore_mem>>
        %dma_start3A_24 = tpu.memref_slice %arg3[%mul3A_13] : memref<4096xi32, #tpu.memory_space<hbm>> -> memref<64xi32, #tpu.memory_space<hbm>>
        %dma_start3A_25 = tpu.memref_slice %arg3[%mul3A_13] : memref<4096xi32, #tpu.memory_space<hbm>> -> memref<64xi32, #tpu.memory_space<hbm>>
        tpu.enqueue_dma source(%dma_start3A_25 : memref<64xi32, #tpu.memory_space<hbm>>) target(%arg5 : memref<64xi32, #tpu.memory_space<vmem>>) target_semaphore(%run_scoped3A : memref<!tpu.dma_semaphore, #tpu.memory_space<semaphore_mem>>)
        %dma_wait3A_26 = tpu.memref_slice %arg3[%mul3A_13] : memref<4096xi32, #tpu.memory_space<hbm>> -> memref<64xi32, #tpu.memory_space<hbm>>
        %dma_wait3A_27 = tpu.memref_slice %arg3[%mul3A_13] : memref<4096xi32, #tpu.memory_space<hbm>> -> memref<64xi32, #tpu.memory_space<hbm>>
        tpu.wait_dma2 semaphore(%run_scoped3A : memref<!tpu.dma_semaphore, #tpu.memory_space<semaphore_mem>>) src(%dma_wait3A_27 : memref<64xi32, #tpu.memory_space<hbm>>) dst(%arg5 : memref<64xi32, #tpu.memory_space<vmem>>)
        tpu.yield
      }) : () -> ()
      %dma_start3A = arith.constant 0 : i32
      %dma_start3A_14 = arith.constant 0 : i32
      %dma_start3A_15 = tpu.memref_slice %arg2[%dma_start3A, %dma_start3A_14] : memref<12416x1024xf32, #tpu.memory_space<hbm>> -> memref<12416x1024xf32, #tpu.memory_space<hbm>>
      tpu.enqueue_indirect_dma source(%dma_start3A_15 : memref<12416x1024xf32, #tpu.memory_space<hbm>>) target(%arg6 : memref<64x1024xf32, #tpu.memory_space<vmem>>) offsets(%arg5 : memref<64xi32, #tpu.memory_space<vmem>>) semaphore(%arg8 : memref<!tpu.dma_semaphore, #tpu.memory_space<semaphore_mem>>)
      %dma_wait3A = arith.constant 0 : i32
      %dma_wait3A_16 = arith.constant 0 : i32
      %dma_wait3A_17 = tpu.memref_slice %arg2[%dma_wait3A, %dma_wait3A_16] : memref<12416x1024xf32, #tpu.memory_space<hbm>> -> memref<12416x1024xf32, #tpu.memory_space<hbm>>
      tpu.wait_indirect_dma semaphore(%arg8 : memref<!tpu.dma_semaphore, #tpu.memory_space<semaphore_mem>>) src(%dma_wait3A_17 : memref<12416x1024xf32, #tpu.memory_space<hbm>>) dst(%arg6 : memref<64x1024xf32, #tpu.memory_space<vmem>>)
      %scan3A_18 = arith.constant 0 : i32
      %scan3A_19 = arith.constant 0 : i32
      %scan3A_20 = arith.constant 32 : i32
      %scan3A_21 = arith.addi %scan3A_19, %scan3A_20 : i32
      %scan3A_22 = arith.constant 1 : i32
      scf.for %scan3A_24 = %scan3A_19 to %scan3A_21 step %scan3A_22  : i32 {
        %scan3A_25 = arith.constant 0 : i32
        %scan3A_26 = arith.constant 64 : i32
        %scan3A_27 = arith.addi %scan3A_25, %scan3A_26 : i32
        %scan3A_28 = arith.constant 1 : i32
        scf.for %scan3A_30 = %scan3A_25 to %scan3A_27 step %scan3A_28  : i32 {
          %mul3A_31 = arith.constant 16 : i32
          %mul3A_32 = arith.muli %scan3A_30, %mul3A_31 : i32
          %mul3A_33 = arith.constant 2 : i32
          %mul3A_34 = arith.muli %mul3A_33, %scan3A_24 : i32
          %get3A = arith.index_cast %mul3A_34 : i32 to index
          %get3A_35 = arith.index_cast %mul3A_32 : i32 to index
          %get3A_36 = tpu.vector_load %arg6[%get3A, %get3A_35] {strides = array<i32>} : memref<64x1024xf32, #tpu.memory_space<vmem>>, vector<1x16xf32>,
          %get3A_37 = vector.shape_cast %get3A_36 : vector<1x16xf32> to vector<16xf32>
          %mul3A_38 = arith.constant 2 : i32
          %mul3A_39 = arith.muli %mul3A_38, %scan3A_24 : i32
          %add3A_40 = arith.constant 1 : i32
          %add3A_41 = arith.addi %mul3A_39, %add3A_40 : i32
          %get3A_42 = arith.index_cast %add3A_41 : i32 to index
          %get3A_43 = arith.index_cast %mul3A_32 : i32 to index
          %get3A_44 = tpu.vector_load %arg6[%get3A_42, %get3A_43] {strides = array<i32>} : memref<64x1024xf32, #tpu.memory_space<vmem>>, vector<1x16xf32>,
          %get3A_45 = vector.shape_cast %get3A_44 : vector<1x16xf32> to vector<16xf32>
          %add3A_46 = arith.addf %get3A_37, %get3A_45 : vector<16xf32>
          %swap3A = arith.index_cast %scan3A_24 : i32 to index
          %swap3A_47 = arith.index_cast %mul3A_32 : i32 to index
          %swap3A_48 = tpu.vector_load %arg7[%swap3A, %swap3A_47] {strides = array<i32>} : memref<32x1024xf32, #tpu.memory_space<vmem>>, vector<1x16xf32>,
          %swap3A_49 = vector.shape_cast %swap3A_48 : vector<1x16xf32> to vector<16xf32>
          %swap3A_50 = vector.shape_cast %add3A_46 : vector<16xf32> to vector<1x16xf32>
          tpu.vector_store %arg7[%swap3A, %swap3A_47], %swap3A_50 {strides = array<i32>} : memref<32x1024xf32, #tpu.memory_space<vmem>>, vector<1x16xf32>,
        }
        %scan3A_29 = arith.constant 64 : i32
      }
      %scan3A_23 = arith.constant 32 : i32
      "tpu.region"() ({
        %run_scoped3A = tpu.sem_alloc : memref<!tpu.dma_semaphore, #tpu.memory_space<semaphore_mem>>
        %dma_start3A_24 = arith.constant 0 : i32
        %dma_start3A_25 = tpu.memref_slice %arg4[%add3A_11, %dma_start3A_24] : memref<2048x1024xf32, #tpu.memory_space<hbm>> -> memref<32x1024xf32, #tpu.memory_space<hbm>>
        %dma_start3A_26 = arith.constant 0 : i32
        %dma_start3A_27 = tpu.memref_slice %arg4[%add3A_11, %dma_start3A_26] : memref<2048x1024xf32, #tpu.memory_space<hbm>> -> memref<32x1024xf32, #tpu.memory_space<hbm>>
        tpu.enqueue_dma source(%arg7 : memref<32x1024xf32, #tpu.memory_space<vmem>>) target(%dma_start3A_27 : memref<32x1024xf32, #tpu.memory_space<hbm>>) target_semaphore(%run_scoped3A : memref<!tpu.dma_semaphore, #tpu.memory_space<semaphore_mem>>)
        %dma_wait3A_28 = arith.constant 0 : i32
        %dma_wait3A_29 = tpu.memref_slice %arg4[%add3A_11, %dma_wait3A_28] : memref<2048x1024xf32, #tpu.memory_space<hbm>> -> memref<32x1024xf32, #tpu.memory_space<hbm>>
        %dma_wait3A_30 = arith.constant 0 : i32
        %dma_wait3A_31 = tpu.memref_slice %arg4[%add3A_11, %dma_wait3A_30] : memref<2048x1024xf32, #tpu.memory_space<hbm>> -> memref<32x1024xf32, #tpu.memory_space<hbm>>
        tpu.wait_dma2 semaphore(%run_scoped3A : memref<!tpu.dma_semaphore, #tpu.memory_space<semaphore_mem>>) src(%arg7 : memref<32x1024xf32, #tpu.memory_space<vmem>>) dst(%dma_wait3A_31 : memref<32x1024xf32, #tpu.memory_space<hbm>>)
        tpu.yield
      }) : () -> ()
    }
    %scan3A_5 = arith.constant 2 : i32
    return
  }
}

module attributes {stable_mosaic.version = 14 : i64} {
  func.func @_router_body(%arg0: memref<2048x1024xf32, #tpu.memory_space<vmem>>, %arg1: memref<64x1024xf32, #tpu.memory_space<vmem>>, %arg2: memref<2048x128xf32, #tpu.memory_space<vmem>>, %arg3: memref<96x8xf32, #tpu.memory_space<vmem>>) attributes {dimension_semantics = [], scalar_prefetch = 0 : i64, scratch_operands = 0 : i64, tpu.core_type = #tpu.core_type<tc>} {
    %get3A = arith.constant 0 : index
    %get3A_0 = arith.constant 0 : index
    %get3A_1 = vector.load %arg0[%get3A, %get3A_0] : memref<2048x1024xf32, #tpu.memory_space<vmem>>, vector<2048x1024xf32>
    %get3A_2 = arith.constant 0 : index
    %get3A_3 = arith.constant 0 : index
    %get3A_4 = vector.load %arg1[%get3A_2, %get3A_3] : memref<64x1024xf32, #tpu.memory_space<vmem>>, vector<64x1024xf32>
    %dot_general3A = arith.constant dense<0.000000e+00> : vector<2048x64xf32>
    %dot_general3A_5 = tpu.matmul %get3A_1, %get3A_4, %dot_general3A {dimension_numbers = #tpu.dot_dimension_numbers<[1], [1], [0], [0], [0, 0, 1, 0], [], []>, transpose_lhs_hint = false} : vector<2048x1024xf32>, vector<64x1024xf32>, vector<2048x64xf32> -> vector<2048x64xf32>
    %reduce_max3A = arith.constant dense<0xFF800000> : vector<2048xf32>
    %reduce_max3A_6 = vector.multi_reduction <maximumf>, %dot_general3A_5, %reduce_max3A [1] : vector<2048x64xf32> to vector<2048xf32>
    %broadcast_in_dim3A = vector.shape_cast %reduce_max3A_6 : vector<2048xf32> to vector<2048x1xf32>
    %sub3A = vector.broadcast %broadcast_in_dim3A : vector<2048x1xf32> to vector<2048x64xf32>
    %sub3A_7 = arith.subf %dot_general3A_5, %sub3A : vector<2048x64xf32>
    %exp3A = math.exp %sub3A_7 : vector<2048x64xf32>
    %reduce_sum3A = arith.constant dense<0.000000e+00> : vector<2048xf32>
    %reduce_sum3A_8 = vector.multi_reduction <add>, %exp3A, %reduce_sum3A [1] : vector<2048x64xf32> to vector<2048xf32>
    %broadcast_in_dim3A_9 = vector.shape_cast %reduce_sum3A_8 : vector<2048xf32> to vector<2048x1xf32>
    %div3A = vector.broadcast %broadcast_in_dim3A_9 : vector<2048x1xf32> to vector<2048x64xf32>
    %div3A_10 = arith.divf %exp3A, %div3A : vector<2048x64xf32>
    %iota3A = tpu.iota {dimensions = array<i32: 1>} : vector<2048x64xi32>
    %reduce_max3A_11 = arith.constant dense<0xFF800000> : vector<2048xf32>
    %reduce_max3A_12 = vector.multi_reduction <maximumf>, %dot_general3A_5, %reduce_max3A_11 [1] : vector<2048x64xf32> to vector<2048xf32>
    %broadcast_in_dim3A_13 = vector.shape_cast %reduce_max3A_12 : vector<2048xf32> to vector<2048x1xf32>
    %eq3A = vector.broadcast %broadcast_in_dim3A_13 : vector<2048x1xf32> to vector<2048x64xf32>
    %eq3A_14 = arith.cmpf oeq, %dot_general3A_5, %eq3A : vector<2048x64xf32>
    %jit3A = arith.constant 64 : i32
    %broadcast_in_dim3A_15 = vector.broadcast %jit3A : i32 to vector<2048x64xi32>
    %select_n3A = arith.select %eq3A_14, %iota3A, %broadcast_in_dim3A_15 : vector<2048x64xi1>, vector<2048x64xi32>
    %reduce_min3A = arith.constant dense<2147483647> : vector<2048xi32>
    %reduce_min3A_16 = vector.multi_reduction <minsi>, %select_n3A, %reduce_min3A [1] : vector<2048x64xi32> to vector<2048xi32>
    %broadcast_in_dim3A_17 = vector.shape_cast %reduce_min3A_16 : vector<2048xi32> to vector<2048x1xi32>
    %eq3A_18 = vector.broadcast %broadcast_in_dim3A_17 : vector<2048x1xi32> to vector<2048x64xi32>
    %eq3A_19 = arith.cmpi eq, %iota3A, %eq3A_18 : vector<2048x64xi32>
    %jit3A_20 = arith.constant 0xFF800000 : f32
    %broadcast_in_dim3A_21 = vector.broadcast %jit3A_20 : f32 to vector<2048x64xf32>
    %select_n3A_22 = arith.select %eq3A_19, %broadcast_in_dim3A_21, %dot_general3A_5 : vector<2048x64xi1>, vector<2048x64xf32>
    %reduce_max3A_23 = arith.constant dense<0xFF800000> : vector<2048xf32>
    %reduce_max3A_24 = vector.multi_reduction <maximumf>, %select_n3A_22, %reduce_max3A_23 [1] : vector<2048x64xf32> to vector<2048xf32>
    %broadcast_in_dim3A_25 = vector.shape_cast %reduce_max3A_24 : vector<2048xf32> to vector<2048x1xf32>
    %eq3A_26 = vector.broadcast %broadcast_in_dim3A_25 : vector<2048x1xf32> to vector<2048x64xf32>
    %eq3A_27 = arith.cmpf oeq, %select_n3A_22, %eq3A_26 : vector<2048x64xf32>
    %jit3A_28 = arith.constant 64 : i32
    %broadcast_in_dim3A_29 = vector.broadcast %jit3A_28 : i32 to vector<2048x64xi32>
    %select_n3A_30 = arith.select %eq3A_27, %iota3A, %broadcast_in_dim3A_29 : vector<2048x64xi1>, vector<2048x64xi32>
    %reduce_min3A_31 = arith.constant dense<2147483647> : vector<2048xi32>
    %reduce_min3A_32 = vector.multi_reduction <minsi>, %select_n3A_30, %reduce_min3A_31 [1] : vector<2048x64xi32> to vector<2048xi32>
    %broadcast_in_dim3A_33 = vector.shape_cast %reduce_min3A_32 : vector<2048xi32> to vector<2048x1xi32>
    %eq3A_34 = vector.broadcast %broadcast_in_dim3A_17 : vector<2048x1xi32> to vector<2048x64xi32>
    %eq3A_35 = arith.cmpi eq, %iota3A, %eq3A_34 : vector<2048x64xi32>
    %jit3A_36 = arith.constant 0.000000e+00 : f32
    %broadcast_in_dim3A_37 = vector.broadcast %jit3A_36 : f32 to vector<2048x64xf32>
    %select_n3A_38 = arith.select %eq3A_35, %div3A_10, %broadcast_in_dim3A_37 : vector<2048x64xi1>, vector<2048x64xf32>
    %reduce_sum3A_39 = arith.constant dense<0.000000e+00> : vector<2048xf32>
    %reduce_sum3A_40 = vector.multi_reduction <add>, %select_n3A_38, %reduce_sum3A_39 [1] : vector<2048x64xf32> to vector<2048xf32>
    %broadcast_in_dim3A_41 = vector.shape_cast %reduce_sum3A_40 : vector<2048xf32> to vector<2048x1xf32>
    %eq3A_42 = vector.broadcast %broadcast_in_dim3A_33 : vector<2048x1xi32> to vector<2048x64xi32>
    %eq3A_43 = arith.cmpi eq, %iota3A, %eq3A_42 : vector<2048x64xi32>
    %jit3A_44 = arith.constant 0.000000e+00 : f32
    %broadcast_in_dim3A_45 = vector.broadcast %jit3A_44 : f32 to vector<2048x64xf32>
    %select_n3A_46 = arith.select %eq3A_43, %div3A_10, %broadcast_in_dim3A_45 : vector<2048x64xi1>, vector<2048x64xf32>
    %reduce_sum3A_47 = arith.constant dense<0.000000e+00> : vector<2048xf32>
    %reduce_sum3A_48 = vector.multi_reduction <add>, %select_n3A_46, %reduce_sum3A_47 [1] : vector<2048x64xf32> to vector<2048xf32>
    %broadcast_in_dim3A_49 = vector.shape_cast %reduce_sum3A_48 : vector<2048xf32> to vector<2048x1xf32>
    %add3A = arith.addf %broadcast_in_dim3A_41, %broadcast_in_dim3A_49 : vector<2048x1xf32>
    %div3A_50 = arith.divf %broadcast_in_dim3A_41, %add3A : vector<2048x1xf32>
    %div3A_51 = arith.divf %broadcast_in_dim3A_49, %add3A : vector<2048x1xf32>
    %eq3A_52 = vector.broadcast %broadcast_in_dim3A_17 : vector<2048x1xi32> to vector<2048x64xi32>
    %eq3A_53 = arith.cmpi eq, %iota3A, %eq3A_52 : vector<2048x64xi32>
    %convert_element_type3A = arith.extui %eq3A_53 : vector<2048x64xi1> to vector<2048x64xi32>
    %convert_element_type3A_54 = arith.sitofp %convert_element_type3A : vector<2048x64xi32> to vector<2048x64xf32>
    %eq3A_55 = vector.broadcast %broadcast_in_dim3A_33 : vector<2048x1xi32> to vector<2048x64xi32>
    %eq3A_56 = arith.cmpi eq, %iota3A, %eq3A_55 : vector<2048x64xi32>
    %convert_element_type3A_57 = arith.extui %eq3A_56 : vector<2048x64xi1> to vector<2048x64xi32>
    %convert_element_type3A_58 = arith.sitofp %convert_element_type3A_57 : vector<2048x64xi32> to vector<2048x64xf32>
    %add3A_59 = arith.addf %convert_element_type3A_54, %convert_element_type3A_58 : vector<2048x64xf32>
    %iota3A_60 = tpu.iota {dimensions = array<i32: 0>} : vector<128x128xi32>
    %iota3A_61 = tpu.iota {dimensions = array<i32: 1>} : vector<128x128xi32>
    %lt3A = arith.cmpi slt, %iota3A_61, %iota3A_60 : vector<128x128xi32>
    %convert_element_type3A_62 = arith.extui %lt3A : vector<128x128xi1> to vector<128x128xi32>
    %convert_element_type3A_63 = arith.sitofp %convert_element_type3A_62 : vector<128x128xi32> to vector<128x128xf32>
    %broadcast_in_dim3A_64 = arith.constant 0.000000e+00 : f32
    %broadcast_in_dim3A_65 = vector.broadcast %broadcast_in_dim3A_64 : f32 to vector<1x64xf32>
    %slice3A = vector.extract_strided_slice %add3A_59 {offsets = [0, 0], sizes = [128, 64], strides = [1, 1]} : vector<2048x64xf32> to vector<128x64xf32>
    %dot_general3A_66 = arith.constant dense<0.000000e+00> : vector<128x64xf32>
    %dot_general3A_67 = tpu.matmul %convert_element_type3A_63, %slice3A, %dot_general3A_66 {dimension_numbers = #tpu.dot_dimension_numbers<[1], [0], [0], [1], [0, 0, 1, 1], [], []>, transpose_lhs_hint = false} : vector<128x128xf32>, vector<128x64xf32>, vector<128x64xf32> -> vector<128x64xf32>
    %add3A_68 = vector.broadcast %broadcast_in_dim3A_65 : vector<1x64xf32> to vector<128x64xf32>
    %add3A_69 = arith.addf %dot_general3A_67, %add3A_68 : vector<128x64xf32>
    %reduce_sum3A_70 = arith.constant dense<0.000000e+00> : vector<64xf32>
    %reduce_sum3A_71 = vector.multi_reduction <add>, %slice3A, %reduce_sum3A_70 [0] : vector<128x64xf32> to vector<64xf32>
    %broadcast_in_dim3A_72 = vector.shape_cast %reduce_sum3A_71 : vector<64xf32> to vector<1x64xf32>
    %add3A_73 = arith.addf %broadcast_in_dim3A_65, %broadcast_in_dim3A_72 : vector<1x64xf32>
    %slice3A_74 = vector.extract_strided_slice %add3A_59 {offsets = [128, 0], sizes = [128, 64], strides = [1, 1]} : vector<2048x64xf32> to vector<128x64xf32>
    %dot_general3A_75 = arith.constant dense<0.000000e+00> : vector<128x64xf32>
    %dot_general3A_76 = tpu.matmul %convert_element_type3A_63, %slice3A_74, %dot_general3A_75 {dimension_numbers = #tpu.dot_dimension_numbers<[1], [0], [0], [1], [0, 0, 1, 1], [], []>, transpose_lhs_hint = false} : vector<128x128xf32>, vector<128x64xf32>, vector<128x64xf32> -> vector<128x64xf32>
    %add3A_77 = vector.broadcast %add3A_73 : vector<1x64xf32> to vector<128x64xf32>
    %add3A_78 = arith.addf %dot_general3A_76, %add3A_77 : vector<128x64xf32>
    %reduce_sum3A_79 = arith.constant dense<0.000000e+00> : vector<64xf32>
    %reduce_sum3A_80 = vector.multi_reduction <add>, %slice3A_74, %reduce_sum3A_79 [0] : vector<128x64xf32> to vector<64xf32>
    %broadcast_in_dim3A_81 = vector.shape_cast %reduce_sum3A_80 : vector<64xf32> to vector<1x64xf32>
    %add3A_82 = arith.addf %add3A_73, %broadcast_in_dim3A_81 : vector<1x64xf32>
    %slice3A_83 = vector.extract_strided_slice %add3A_59 {offsets = [256, 0], sizes = [128, 64], strides = [1, 1]} : vector<2048x64xf32> to vector<128x64xf32>
    %dot_general3A_84 = arith.constant dense<0.000000e+00> : vector<128x64xf32>
    %dot_general3A_85 = tpu.matmul %convert_element_type3A_63, %slice3A_83, %dot_general3A_84 {dimension_numbers = #tpu.dot_dimension_numbers<[1], [0], [0], [1], [0, 0, 1, 1], [], []>, transpose_lhs_hint = false} : vector<128x128xf32>, vector<128x64xf32>, vector<128x64xf32> -> vector<128x64xf32>
    %add3A_86 = vector.broadcast %add3A_82 : vector<1x64xf32> to vector<128x64xf32>
    %add3A_87 = arith.addf %dot_general3A_85, %add3A_86 : vector<128x64xf32>
    %reduce_sum3A_88 = arith.constant dense<0.000000e+00> : vector<64xf32>
    %reduce_sum3A_89 = vector.multi_reduction <add>, %slice3A_83, %reduce_sum3A_88 [0] : vector<128x64xf32> to vector<64xf32>
    %broadcast_in_dim3A_90 = vector.shape_cast %reduce_sum3A_89 : vector<64xf32> to vector<1x64xf32>
    %add3A_91 = arith.addf %add3A_82, %broadcast_in_dim3A_90 : vector<1x64xf32>
    %slice3A_92 = vector.extract_strided_slice %add3A_59 {offsets = [384, 0], sizes = [128, 64], strides = [1, 1]} : vector<2048x64xf32> to vector<128x64xf32>
    %dot_general3A_93 = arith.constant dense<0.000000e+00> : vector<128x64xf32>
    %dot_general3A_94 = tpu.matmul %convert_element_type3A_63, %slice3A_92, %dot_general3A_93 {dimension_numbers = #tpu.dot_dimension_numbers<[1], [0], [0], [1], [0, 0, 1, 1], [], []>, transpose_lhs_hint = false} : vector<128x128xf32>, vector<128x64xf32>, vector<128x64xf32> -> vector<128x64xf32>
    %add3A_95 = vector.broadcast %add3A_91 : vector<1x64xf32> to vector<128x64xf32>
    %add3A_96 = arith.addf %dot_general3A_94, %add3A_95 : vector<128x64xf32>
    %reduce_sum3A_97 = arith.constant dense<0.000000e+00> : vector<64xf32>
    %reduce_sum3A_98 = vector.multi_reduction <add>, %slice3A_92, %reduce_sum3A_97 [0] : vector<128x64xf32> to vector<64xf32>
    %broadcast_in_dim3A_99 = vector.shape_cast %reduce_sum3A_98 : vector<64xf32> to vector<1x64xf32>
    %add3A_100 = arith.addf %add3A_91, %broadcast_in_dim3A_99 : vector<1x64xf32>
    %slice3A_101 = vector.extract_strided_slice %add3A_59 {offsets = [512, 0], sizes = [128, 64], strides = [1, 1]} : vector<2048x64xf32> to vector<128x64xf32>
    %dot_general3A_102 = arith.constant dense<0.000000e+00> : vector<128x64xf32>
    %dot_general3A_103 = tpu.matmul %convert_element_type3A_63, %slice3A_101, %dot_general3A_102 {dimension_numbers = #tpu.dot_dimension_numbers<[1], [0], [0], [1], [0, 0, 1, 1], [], []>, transpose_lhs_hint = false} : vector<128x128xf32>, vector<128x64xf32>, vector<128x64xf32> -> vector<128x64xf32>
    %add3A_104 = vector.broadcast %add3A_100 : vector<1x64xf32> to vector<128x64xf32>
    %add3A_105 = arith.addf %dot_general3A_103, %add3A_104 : vector<128x64xf32>
    %reduce_sum3A_106 = arith.constant dense<0.000000e+00> : vector<64xf32>
    %reduce_sum3A_107 = vector.multi_reduction <add>, %slice3A_101, %reduce_sum3A_106 [0] : vector<128x64xf32> to vector<64xf32>
    %broadcast_in_dim3A_108 = vector.shape_cast %reduce_sum3A_107 : vector<64xf32> to vector<1x64xf32>
    %add3A_109 = arith.addf %add3A_100, %broadcast_in_dim3A_108 : vector<1x64xf32>
    %slice3A_110 = vector.extract_strided_slice %add3A_59 {offsets = [640, 0], sizes = [128, 64], strides = [1, 1]} : vector<2048x64xf32> to vector<128x64xf32>
    %dot_general3A_111 = arith.constant dense<0.000000e+00> : vector<128x64xf32>
    %dot_general3A_112 = tpu.matmul %convert_element_type3A_63, %slice3A_110, %dot_general3A_111 {dimension_numbers = #tpu.dot_dimension_numbers<[1], [0], [0], [1], [0, 0, 1, 1], [], []>, transpose_lhs_hint = false} : vector<128x128xf32>, vector<128x64xf32>, vector<128x64xf32> -> vector<128x64xf32>
    %add3A_113 = vector.broadcast %add3A_109 : vector<1x64xf32> to vector<128x64xf32>
    %add3A_114 = arith.addf %dot_general3A_112, %add3A_113 : vector<128x64xf32>
    %reduce_sum3A_115 = arith.constant dense<0.000000e+00> : vector<64xf32>
    %reduce_sum3A_116 = vector.multi_reduction <add>, %slice3A_110, %reduce_sum3A_115 [0] : vector<128x64xf32> to vector<64xf32>
    %broadcast_in_dim3A_117 = vector.shape_cast %reduce_sum3A_116 : vector<64xf32> to vector<1x64xf32>
    %add3A_118 = arith.addf %add3A_109, %broadcast_in_dim3A_117 : vector<1x64xf32>
    %slice3A_119 = vector.extract_strided_slice %add3A_59 {offsets = [768, 0], sizes = [128, 64], strides = [1, 1]} : vector<2048x64xf32> to vector<128x64xf32>
    %dot_general3A_120 = arith.constant dense<0.000000e+00> : vector<128x64xf32>
    %dot_general3A_121 = tpu.matmul %convert_element_type3A_63, %slice3A_119, %dot_general3A_120 {dimension_numbers = #tpu.dot_dimension_numbers<[1], [0], [0], [1], [0, 0, 1, 1], [], []>, transpose_lhs_hint = false} : vector<128x128xf32>, vector<128x64xf32>, vector<128x64xf32> -> vector<128x64xf32>
    %add3A_122 = vector.broadcast %add3A_118 : vector<1x64xf32> to vector<128x64xf32>
    %add3A_123 = arith.addf %dot_general3A_121, %add3A_122 : vector<128x64xf32>
    %reduce_sum3A_124 = arith.constant dense<0.000000e+00> : vector<64xf32>
    %reduce_sum3A_125 = vector.multi_reduction <add>, %slice3A_119, %reduce_sum3A_124 [0] : vector<128x64xf32> to vector<64xf32>
    %broadcast_in_dim3A_126 = vector.shape_cast %reduce_sum3A_125 : vector<64xf32> to vector<1x64xf32>
    %add3A_127 = arith.addf %add3A_118, %broadcast_in_dim3A_126 : vector<1x64xf32>
    %slice3A_128 = vector.extract_strided_slice %add3A_59 {offsets = [896, 0], sizes = [128, 64], strides = [1, 1]} : vector<2048x64xf32> to vector<128x64xf32>
    %dot_general3A_129 = arith.constant dense<0.000000e+00> : vector<128x64xf32>
    %dot_general3A_130 = tpu.matmul %convert_element_type3A_63, %slice3A_128, %dot_general3A_129 {dimension_numbers = #tpu.dot_dimension_numbers<[1], [0], [0], [1], [0, 0, 1, 1], [], []>, transpose_lhs_hint = false} : vector<128x128xf32>, vector<128x64xf32>, vector<128x64xf32> -> vector<128x64xf32>
    %add3A_131 = vector.broadcast %add3A_127 : vector<1x64xf32> to vector<128x64xf32>
    %add3A_132 = arith.addf %dot_general3A_130, %add3A_131 : vector<128x64xf32>
    %reduce_sum3A_133 = arith.constant dense<0.000000e+00> : vector<64xf32>
    %reduce_sum3A_134 = vector.multi_reduction <add>, %slice3A_128, %reduce_sum3A_133 [0] : vector<128x64xf32> to vector<64xf32>
    %broadcast_in_dim3A_135 = vector.shape_cast %reduce_sum3A_134 : vector<64xf32> to vector<1x64xf32>
    %add3A_136 = arith.addf %add3A_127, %broadcast_in_dim3A_135 : vector<1x64xf32>
    %slice3A_137 = vector.extract_strided_slice %add3A_59 {offsets = [1024, 0], sizes = [128, 64], strides = [1, 1]} : vector<2048x64xf32> to vector<128x64xf32>
    %dot_general3A_138 = arith.constant dense<0.000000e+00> : vector<128x64xf32>
    %dot_general3A_139 = tpu.matmul %convert_element_type3A_63, %slice3A_137, %dot_general3A_138 {dimension_numbers = #tpu.dot_dimension_numbers<[1], [0], [0], [1], [0, 0, 1, 1], [], []>, transpose_lhs_hint = false} : vector<128x128xf32>, vector<128x64xf32>, vector<128x64xf32> -> vector<128x64xf32>
    %add3A_140 = vector.broadcast %add3A_136 : vector<1x64xf32> to vector<128x64xf32>
    %add3A_141 = arith.addf %dot_general3A_139, %add3A_140 : vector<128x64xf32>
    %reduce_sum3A_142 = arith.constant dense<0.000000e+00> : vector<64xf32>
    %reduce_sum3A_143 = vector.multi_reduction <add>, %slice3A_137, %reduce_sum3A_142 [0] : vector<128x64xf32> to vector<64xf32>
    %broadcast_in_dim3A_144 = vector.shape_cast %reduce_sum3A_143 : vector<64xf32> to vector<1x64xf32>
    %add3A_145 = arith.addf %add3A_136, %broadcast_in_dim3A_144 : vector<1x64xf32>
    %slice3A_146 = vector.extract_strided_slice %add3A_59 {offsets = [1152, 0], sizes = [128, 64], strides = [1, 1]} : vector<2048x64xf32> to vector<128x64xf32>
    %dot_general3A_147 = arith.constant dense<0.000000e+00> : vector<128x64xf32>
    %dot_general3A_148 = tpu.matmul %convert_element_type3A_63, %slice3A_146, %dot_general3A_147 {dimension_numbers = #tpu.dot_dimension_numbers<[1], [0], [0], [1], [0, 0, 1, 1], [], []>, transpose_lhs_hint = false} : vector<128x128xf32>, vector<128x64xf32>, vector<128x64xf32> -> vector<128x64xf32>
    %add3A_149 = vector.broadcast %add3A_145 : vector<1x64xf32> to vector<128x64xf32>
    %add3A_150 = arith.addf %dot_general3A_148, %add3A_149 : vector<128x64xf32>
    %reduce_sum3A_151 = arith.constant dense<0.000000e+00> : vector<64xf32>
    %reduce_sum3A_152 = vector.multi_reduction <add>, %slice3A_146, %reduce_sum3A_151 [0] : vector<128x64xf32> to vector<64xf32>
    %broadcast_in_dim3A_153 = vector.shape_cast %reduce_sum3A_152 : vector<64xf32> to vector<1x64xf32>
    %add3A_154 = arith.addf %add3A_145, %broadcast_in_dim3A_153 : vector<1x64xf32>
    %slice3A_155 = vector.extract_strided_slice %add3A_59 {offsets = [1280, 0], sizes = [128, 64], strides = [1, 1]} : vector<2048x64xf32> to vector<128x64xf32>
    %dot_general3A_156 = arith.constant dense<0.000000e+00> : vector<128x64xf32>
    %dot_general3A_157 = tpu.matmul %convert_element_type3A_63, %slice3A_155, %dot_general3A_156 {dimension_numbers = #tpu.dot_dimension_numbers<[1], [0], [0], [1], [0, 0, 1, 1], [], []>, transpose_lhs_hint = false} : vector<128x128xf32>, vector<128x64xf32>, vector<128x64xf32> -> vector<128x64xf32>
    %add3A_158 = vector.broadcast %add3A_154 : vector<1x64xf32> to vector<128x64xf32>
    %add3A_159 = arith.addf %dot_general3A_157, %add3A_158 : vector<128x64xf32>
    %reduce_sum3A_160 = arith.constant dense<0.000000e+00> : vector<64xf32>
    %reduce_sum3A_161 = vector.multi_reduction <add>, %slice3A_155, %reduce_sum3A_160 [0] : vector<128x64xf32> to vector<64xf32>
    %broadcast_in_dim3A_162 = vector.shape_cast %reduce_sum3A_161 : vector<64xf32> to vector<1x64xf32>
    %add3A_163 = arith.addf %add3A_154, %broadcast_in_dim3A_162 : vector<1x64xf32>
    %slice3A_164 = vector.extract_strided_slice %add3A_59 {offsets = [1408, 0], sizes = [128, 64], strides = [1, 1]} : vector<2048x64xf32> to vector<128x64xf32>
    %dot_general3A_165 = arith.constant dense<0.000000e+00> : vector<128x64xf32>
    %dot_general3A_166 = tpu.matmul %convert_element_type3A_63, %slice3A_164, %dot_general3A_165 {dimension_numbers = #tpu.dot_dimension_numbers<[1], [0], [0], [1], [0, 0, 1, 1], [], []>, transpose_lhs_hint = false} : vector<128x128xf32>, vector<128x64xf32>, vector<128x64xf32> -> vector<128x64xf32>
    %add3A_167 = vector.broadcast %add3A_163 : vector<1x64xf32> to vector<128x64xf32>
    %add3A_168 = arith.addf %dot_general3A_166, %add3A_167 : vector<128x64xf32>
    %reduce_sum3A_169 = arith.constant dense<0.000000e+00> : vector<64xf32>
    %reduce_sum3A_170 = vector.multi_reduction <add>, %slice3A_164, %reduce_sum3A_169 [0] : vector<128x64xf32> to vector<64xf32>
    %broadcast_in_dim3A_171 = vector.shape_cast %reduce_sum3A_170 : vector<64xf32> to vector<1x64xf32>
    %add3A_172 = arith.addf %add3A_163, %broadcast_in_dim3A_171 : vector<1x64xf32>
    %slice3A_173 = vector.extract_strided_slice %add3A_59 {offsets = [1536, 0], sizes = [128, 64], strides = [1, 1]} : vector<2048x64xf32> to vector<128x64xf32>
    %dot_general3A_174 = arith.constant dense<0.000000e+00> : vector<128x64xf32>
    %dot_general3A_175 = tpu.matmul %convert_element_type3A_63, %slice3A_173, %dot_general3A_174 {dimension_numbers = #tpu.dot_dimension_numbers<[1], [0], [0], [1], [0, 0, 1, 1], [], []>, transpose_lhs_hint = false} : vector<128x128xf32>, vector<128x64xf32>, vector<128x64xf32> -> vector<128x64xf32>
    %add3A_176 = vector.broadcast %add3A_172 : vector<1x64xf32> to vector<128x64xf32>
    %add3A_177 = arith.addf %dot_general3A_175, %add3A_176 : vector<128x64xf32>
    %reduce_sum3A_178 = arith.constant dense<0.000000e+00> : vector<64xf32>
    %reduce_sum3A_179 = vector.multi_reduction <add>, %slice3A_173, %reduce_sum3A_178 [0] : vector<128x64xf32> to vector<64xf32>
    %broadcast_in_dim3A_180 = vector.shape_cast %reduce_sum3A_179 : vector<64xf32> to vector<1x64xf32>
    %add3A_181 = arith.addf %add3A_172, %broadcast_in_dim3A_180 : vector<1x64xf32>
    %slice3A_182 = vector.extract_strided_slice %add3A_59 {offsets = [1664, 0], sizes = [128, 64], strides = [1, 1]} : vector<2048x64xf32> to vector<128x64xf32>
    %dot_general3A_183 = arith.constant dense<0.000000e+00> : vector<128x64xf32>
    %dot_general3A_184 = tpu.matmul %convert_element_type3A_63, %slice3A_182, %dot_general3A_183 {dimension_numbers = #tpu.dot_dimension_numbers<[1], [0], [0], [1], [0, 0, 1, 1], [], []>, transpose_lhs_hint = false} : vector<128x128xf32>, vector<128x64xf32>, vector<128x64xf32> -> vector<128x64xf32>
    %add3A_185 = vector.broadcast %add3A_181 : vector<1x64xf32> to vector<128x64xf32>
    %add3A_186 = arith.addf %dot_general3A_184, %add3A_185 : vector<128x64xf32>
    %reduce_sum3A_187 = arith.constant dense<0.000000e+00> : vector<64xf32>
    %reduce_sum3A_188 = vector.multi_reduction <add>, %slice3A_182, %reduce_sum3A_187 [0] : vector<128x64xf32> to vector<64xf32>
    %broadcast_in_dim3A_189 = vector.shape_cast %reduce_sum3A_188 : vector<64xf32> to vector<1x64xf32>
    %add3A_190 = arith.addf %add3A_181, %broadcast_in_dim3A_189 : vector<1x64xf32>
    %slice3A_191 = vector.extract_strided_slice %add3A_59 {offsets = [1792, 0], sizes = [128, 64], strides = [1, 1]} : vector<2048x64xf32> to vector<128x64xf32>
    %dot_general3A_192 = arith.constant dense<0.000000e+00> : vector<128x64xf32>
    %dot_general3A_193 = tpu.matmul %convert_element_type3A_63, %slice3A_191, %dot_general3A_192 {dimension_numbers = #tpu.dot_dimension_numbers<[1], [0], [0], [1], [0, 0, 1, 1], [], []>, transpose_lhs_hint = false} : vector<128x128xf32>, vector<128x64xf32>, vector<128x64xf32> -> vector<128x64xf32>
    %add3A_194 = vector.broadcast %add3A_190 : vector<1x64xf32> to vector<128x64xf32>
    %add3A_195 = arith.addf %dot_general3A_193, %add3A_194 : vector<128x64xf32>
    %reduce_sum3A_196 = arith.constant dense<0.000000e+00> : vector<64xf32>
    %reduce_sum3A_197 = vector.multi_reduction <add>, %slice3A_191, %reduce_sum3A_196 [0] : vector<128x64xf32> to vector<64xf32>
    %broadcast_in_dim3A_198 = vector.shape_cast %reduce_sum3A_197 : vector<64xf32> to vector<1x64xf32>
    %add3A_199 = arith.addf %add3A_190, %broadcast_in_dim3A_198 : vector<1x64xf32>
    %slice3A_200 = vector.extract_strided_slice %add3A_59 {offsets = [1920, 0], sizes = [128, 64], strides = [1, 1]} : vector<2048x64xf32> to vector<128x64xf32>
    %dot_general3A_201 = arith.constant dense<0.000000e+00> : vector<128x64xf32>
    %dot_general3A_202 = tpu.matmul %convert_element_type3A_63, %slice3A_200, %dot_general3A_201 {dimension_numbers = #tpu.dot_dimension_numbers<[1], [0], [0], [1], [0, 0, 1, 1], [], []>, transpose_lhs_hint = false} : vector<128x128xf32>, vector<128x64xf32>, vector<128x64xf32> -> vector<128x64xf32>
    %add3A_203 = vector.broadcast %add3A_199 : vector<1x64xf32> to vector<128x64xf32>
    %add3A_204 = arith.addf %dot_general3A_202, %add3A_203 : vector<128x64xf32>
    %reduce_sum3A_205 = arith.constant dense<0.000000e+00> : vector<64xf32>
    %reduce_sum3A_206 = vector.multi_reduction <add>, %slice3A_200, %reduce_sum3A_205 [0] : vector<128x64xf32> to vector<64xf32>
    %broadcast_in_dim3A_207 = vector.shape_cast %reduce_sum3A_206 : vector<64xf32> to vector<1x64xf32>
    %add3A_208 = arith.addf %add3A_199, %broadcast_in_dim3A_207 : vector<1x64xf32>
    %concatenate3A = tpu.concatenate %add3A_69, %add3A_78, %add3A_87, %add3A_96, %add3A_105, %add3A_114, %add3A_123, %add3A_132, %add3A_141, %add3A_150, %add3A_159, %add3A_168, %add3A_177, %add3A_186, %add3A_195, %add3A_204 in 0 : vector<128x64xf32>, vector<128x64xf32>, vector<128x64xf32>, vector<128x64xf32>, vector<128x64xf32>, vector<128x64xf32>, vector<128x64xf32>, vector<128x64xf32>, vector<128x64xf32>, vector<128x64xf32>, vector<128x64xf32>, vector<128x64xf32>, vector<128x64xf32>, vector<128x64xf32>, vector<128x64xf32>, vector<128x64xf32> -> vector<2048x64xf32>
    %mul3A = arith.mulf %convert_element_type3A_54, %concatenate3A : vector<2048x64xf32>
    %reduce_sum3A_209 = arith.constant dense<0.000000e+00> : vector<2048xf32>
    %reduce_sum3A_210 = vector.multi_reduction <add>, %mul3A, %reduce_sum3A_209 [1] : vector<2048x64xf32> to vector<2048xf32>
    %broadcast_in_dim3A_211 = vector.shape_cast %reduce_sum3A_210 : vector<2048xf32> to vector<2048x1xf32>
    %mul3A_212 = arith.mulf %convert_element_type3A_58, %concatenate3A : vector<2048x64xf32>
    %reduce_sum3A_213 = arith.constant dense<0.000000e+00> : vector<2048xf32>
    %reduce_sum3A_214 = vector.multi_reduction <add>, %mul3A_212, %reduce_sum3A_213 [1] : vector<2048x64xf32> to vector<2048xf32>
    %broadcast_in_dim3A_215 = vector.shape_cast %reduce_sum3A_214 : vector<2048xf32> to vector<2048x1xf32>
    %add3A_216 = arith.constant 1.270000e+02 : f32
    %add3A_217 = vector.broadcast %add3A_216 : f32 to vector<1x64xf32>
    %add3A_218 = arith.addf %add3A_208, %add3A_217 : vector<1x64xf32>
    %mul3A_219 = arith.constant 7.812500e-03 : f32
    %mul3A_220 = vector.broadcast %mul3A_219 : f32 to vector<1x64xf32>
    %mul3A_221 = arith.mulf %add3A_218, %mul3A_220 : vector<1x64xf32>
    %floor3A = math.floor %mul3A_221 : vector<1x64xf32>
    %mul3A_222 = arith.constant 1.280000e+02 : f32
    %mul3A_223 = vector.broadcast %mul3A_222 : f32 to vector<1x64xf32>
    %mul3A_224 = arith.mulf %floor3A, %mul3A_223 : vector<1x64xf32>
    %iota3A_225 = tpu.iota {dimensions = array<i32: 0>} : vector<64x64xi32>
    %iota3A_226 = tpu.iota {dimensions = array<i32: 1>} : vector<64x64xi32>
    %lt3A_227 = arith.cmpi slt, %iota3A_225, %iota3A_226 : vector<64x64xi32>
    %convert_element_type3A_228 = arith.extui %lt3A_227 : vector<64x64xi1> to vector<64x64xi32>
    %convert_element_type3A_229 = arith.sitofp %convert_element_type3A_228 : vector<64x64xi32> to vector<64x64xf32>
    %dot_general3A_230 = arith.constant dense<0.000000e+00> : vector<1x64xf32>
    %dot_general3A_231 = tpu.matmul %mul3A_224, %convert_element_type3A_229, %dot_general3A_230 {dimension_numbers = #tpu.dot_dimension_numbers<[1], [0], [0], [1], [0, 0, 1, 1], [], []>, transpose_lhs_hint = false} : vector<1x64xf32>, vector<64x64xf32>, vector<1x64xf32> -> vector<1x64xf32>
    %mul3A_232 = vector.broadcast %dot_general3A_231 : vector<1x64xf32> to vector<2048x64xf32>
    %mul3A_233 = arith.mulf %convert_element_type3A_54, %mul3A_232 : vector<2048x64xf32>
    %reduce_sum3A_234 = arith.constant dense<0.000000e+00> : vector<2048xf32>
    %reduce_sum3A_235 = vector.multi_reduction <add>, %mul3A_233, %reduce_sum3A_234 [1] : vector<2048x64xf32> to vector<2048xf32>
    %broadcast_in_dim3A_236 = vector.shape_cast %reduce_sum3A_235 : vector<2048xf32> to vector<2048x1xf32>
    %add3A_237 = arith.addf %broadcast_in_dim3A_236, %broadcast_in_dim3A_211 : vector<2048x1xf32>
    %mul3A_238 = vector.broadcast %dot_general3A_231 : vector<1x64xf32> to vector<2048x64xf32>
    %mul3A_239 = arith.mulf %convert_element_type3A_58, %mul3A_238 : vector<2048x64xf32>
    %reduce_sum3A_240 = arith.constant dense<0.000000e+00> : vector<2048xf32>
    %reduce_sum3A_241 = vector.multi_reduction <add>, %mul3A_239, %reduce_sum3A_240 [1] : vector<2048x64xf32> to vector<2048xf32>
    %broadcast_in_dim3A_242 = vector.shape_cast %reduce_sum3A_241 : vector<2048xf32> to vector<2048x1xf32>
    %add3A_243 = arith.addf %broadcast_in_dim3A_242, %broadcast_in_dim3A_215 : vector<2048x1xf32>
    %iota3A_244 = tpu.iota {dimensions = array<i32: 1>} : vector<2048x128xi32>
    %eq3A_245 = arith.constant 0 : i32
    %eq3A_246 = vector.broadcast %eq3A_245 : i32 to vector<2048x128xi32>
    %eq3A_247 = arith.cmpi eq, %iota3A_244, %eq3A_246 : vector<2048x128xi32>
    %eq3A_248 = arith.constant 1 : i32
    %eq3A_249 = vector.broadcast %eq3A_248 : i32 to vector<2048x128xi32>
    %eq3A_250 = arith.cmpi eq, %iota3A_244, %eq3A_249 : vector<2048x128xi32>
    %eq3A_251 = arith.constant 2 : i32
    %eq3A_252 = vector.broadcast %eq3A_251 : i32 to vector<2048x128xi32>
    %eq3A_253 = arith.cmpi eq, %iota3A_244, %eq3A_252 : vector<2048x128xi32>
    %eq3A_254 = arith.constant 3 : i32
    %eq3A_255 = vector.broadcast %eq3A_254 : i32 to vector<2048x128xi32>
    %eq3A_256 = arith.cmpi eq, %iota3A_244, %eq3A_255 : vector<2048x128xi32>
    %jit3A_257 = arith.constant 0.000000e+00 : f32
    %broadcast_in_dim3A_258 = vector.shape_cast %add3A_243 : vector<2048x1xf32> to vector<2048x1xf32>
    %broadcast_in_dim3A_259 = vector.broadcast %broadcast_in_dim3A_258 : vector<2048x1xf32> to vector<2048x128xf32>
    %broadcast_in_dim3A_260 = vector.broadcast %jit3A_257 : f32 to vector<2048x128xf32>
    %select_n3A_261 = arith.select %eq3A_256, %broadcast_in_dim3A_259, %broadcast_in_dim3A_260 : vector<2048x128xi1>, vector<2048x128xf32>
    %broadcast_in_dim3A_262 = vector.shape_cast %add3A_237 : vector<2048x1xf32> to vector<2048x1xf32>
    %broadcast_in_dim3A_263 = vector.broadcast %broadcast_in_dim3A_262 : vector<2048x1xf32> to vector<2048x128xf32>
    %select_n3A_264 = arith.select %eq3A_253, %broadcast_in_dim3A_263, %select_n3A_261 : vector<2048x128xi1>, vector<2048x128xf32>
    %broadcast_in_dim3A_265 = vector.shape_cast %div3A_51 : vector<2048x1xf32> to vector<2048x1xf32>
    %broadcast_in_dim3A_266 = vector.broadcast %broadcast_in_dim3A_265 : vector<2048x1xf32> to vector<2048x128xf32>
    %select_n3A_267 = arith.select %eq3A_250, %broadcast_in_dim3A_266, %select_n3A_264 : vector<2048x128xi1>, vector<2048x128xf32>
    %broadcast_in_dim3A_268 = vector.shape_cast %div3A_50 : vector<2048x1xf32> to vector<2048x1xf32>
    %broadcast_in_dim3A_269 = vector.broadcast %broadcast_in_dim3A_268 : vector<2048x1xf32> to vector<2048x128xf32>
    %select_n3A_270 = arith.select %eq3A_247, %broadcast_in_dim3A_269, %select_n3A_267 : vector<2048x128xi1>, vector<2048x128xf32>
    %swap3A = arith.constant 0 : index
    %swap3A_271 = arith.constant 0 : index
    %swap3A_272 = vector.load %arg2[%swap3A, %swap3A_271] : memref<2048x128xf32, #tpu.memory_space<vmem>>, vector<2048x128xf32>
    tpu.vector_store %arg2[%swap3A, %swap3A_271], %select_n3A_270 {strides = array<i32>} : memref<2048x128xf32, #tpu.memory_space<vmem>>, vector<2048x128xf32>,
    %iota3A_273 = tpu.iota {dimensions = array<i32: 0>} : vector<96x1xi32>
    %convert_element_type3A_274 = arith.sitofp %iota3A_273 : vector<96x1xi32> to vector<96x1xf32>
    %mul3A_275 = arith.constant 1.280000e+02 : f32
    %mul3A_276 = vector.broadcast %mul3A_275 : f32 to vector<96x1xf32>
    %mul3A_277 = arith.mulf %convert_element_type3A_274, %mul3A_276 : vector<96x1xf32>
    %le3A = vector.broadcast %dot_general3A_231 : vector<1x64xf32> to vector<96x64xf32>
    %le3A_278 = vector.broadcast %mul3A_277 : vector<96x1xf32> to vector<96x64xf32>
    %le3A_279 = arith.cmpf ole, %le3A, %le3A_278 : vector<96x64xf32>
    %convert_element_type3A_280 = arith.extui %le3A_279 : vector<96x64xi1> to vector<96x64xi32>
    %convert_element_type3A_281 = arith.sitofp %convert_element_type3A_280 : vector<96x64xi32> to vector<96x64xf32>
    %reduce_sum3A_282 = arith.constant dense<0.000000e+00> : vector<96xf32>
    %reduce_sum3A_283 = vector.multi_reduction <add>, %convert_element_type3A_281, %reduce_sum3A_282 [1] : vector<96x64xf32> to vector<96xf32>
    %broadcast_in_dim3A_284 = vector.shape_cast %reduce_sum3A_283 : vector<96xf32> to vector<96x1xf32>
    %sub3A_285 = arith.constant 1.000000e+00 : f32
    %sub3A_286 = vector.broadcast %sub3A_285 : f32 to vector<96x1xf32>
    %sub3A_287 = arith.subf %broadcast_in_dim3A_284, %sub3A_286 : vector<96x1xf32>
    %reduce_sum3A_288 = arith.constant dense<0.000000e+00> : vector<1xf32>
    %reduce_sum3A_289 = vector.multi_reduction <add>, %mul3A_224, %reduce_sum3A_288 [1] : vector<1x64xf32> to vector<1xf32>
    %broadcast_in_dim3A_290 = vector.shape_cast %reduce_sum3A_289 : vector<1xf32> to vector<1x1xf32>
    %lt3A_291 = vector.broadcast %broadcast_in_dim3A_290 : vector<1x1xf32> to vector<96x1xf32>
    %lt3A_292 = arith.cmpf olt, %mul3A_277, %lt3A_291 : vector<96x1xf32>
    %jit3A_293 = arith.constant 0.000000e+00 : f32
    %broadcast_in_dim3A_294 = vector.broadcast %jit3A_293 : f32 to vector<96x1xf32>
    %select_n3A_295 = arith.select %lt3A_292, %sub3A_287, %broadcast_in_dim3A_294 : vector<96x1xi1>, vector<96x1xf32>
    %reduce_max3A_296 = arith.constant dense<0xFF800000> : vector<1xf32>
    %reduce_max3A_297 = vector.multi_reduction <maximumf>, %select_n3A_295, %reduce_max3A_296 [0] : vector<96x1xf32> to vector<1xf32>
    %broadcast_in_dim3A_298 = vector.shape_cast %reduce_max3A_297 : vector<1xf32> to vector<1x1xf32>
    %broadcast_in_dim3A_299 = vector.shape_cast %broadcast_in_dim3A_298 : vector<1x1xf32> to vector<1x1xf32>
    %broadcast_in_dim3A_300 = vector.broadcast %broadcast_in_dim3A_299 : vector<1x1xf32> to vector<96x1xf32>
    %select_n3A_301 = arith.select %lt3A_292, %sub3A_287, %broadcast_in_dim3A_300 : vector<96x1xi1>, vector<96x1xf32>
    %jit3A_302 = arith.constant 0.000000e+00 : f32
    %broadcast_in_dim3A_303 = vector.broadcast %jit3A_302 : f32 to vector<96x1xf32>
    %select_n3A_304 = arith.select %lt3A_292, %convert_element_type3A_274, %broadcast_in_dim3A_303 : vector<96x1xi1>, vector<96x1xf32>
    %jit3A_305 = arith.constant 9.600000e+01 : f32
    %broadcast_in_dim3A_306 = vector.broadcast %jit3A_305 : f32 to vector<96x1xf32>
    %select_n3A_307 = arith.select %lt3A_292, %convert_element_type3A_274, %broadcast_in_dim3A_306 : vector<96x1xi1>, vector<96x1xf32>
    %iota3A_308 = tpu.iota {dimensions = array<i32: 1>} : vector<96x8xi32>
    %eq3A_309 = arith.constant 0 : i32
    %eq3A_310 = vector.broadcast %eq3A_309 : i32 to vector<96x8xi32>
    %eq3A_311 = arith.cmpi eq, %iota3A_308, %eq3A_310 : vector<96x8xi32>
    %eq3A_312 = arith.constant 1 : i32
    %eq3A_313 = vector.broadcast %eq3A_312 : i32 to vector<96x8xi32>
    %eq3A_314 = arith.cmpi eq, %iota3A_308, %eq3A_313 : vector<96x8xi32>
    %eq3A_315 = arith.constant 2 : i32
    %eq3A_316 = vector.broadcast %eq3A_315 : i32 to vector<96x8xi32>
    %eq3A_317 = arith.cmpi eq, %iota3A_308, %eq3A_316 : vector<96x8xi32>
    %jit3A_318 = arith.constant 0.000000e+00 : f32
    %broadcast_in_dim3A_319 = vector.shape_cast %select_n3A_307 : vector<96x1xf32> to vector<96x1xf32>
    %broadcast_in_dim3A_320 = vector.broadcast %broadcast_in_dim3A_319 : vector<96x1xf32> to vector<96x8xf32>
    %broadcast_in_dim3A_321 = vector.broadcast %jit3A_318 : f32 to vector<96x8xf32>
    %select_n3A_322 = arith.select %eq3A_317, %broadcast_in_dim3A_320, %broadcast_in_dim3A_321 : vector<96x8xi1>, vector<96x8xf32>
    %broadcast_in_dim3A_323 = vector.shape_cast %select_n3A_304 : vector<96x1xf32> to vector<96x1xf32>
    %broadcast_in_dim3A_324 = vector.broadcast %broadcast_in_dim3A_323 : vector<96x1xf32> to vector<96x8xf32>
    %select_n3A_325 = arith.select %eq3A_314, %broadcast_in_dim3A_324, %select_n3A_322 : vector<96x8xi1>, vector<96x8xf32>
    %broadcast_in_dim3A_326 = vector.shape_cast %select_n3A_301 : vector<96x1xf32> to vector<96x1xf32>
    %broadcast_in_dim3A_327 = vector.broadcast %broadcast_in_dim3A_326 : vector<96x1xf32> to vector<96x8xf32>
    %select_n3A_328 = arith.select %eq3A_311, %broadcast_in_dim3A_327, %select_n3A_325 : vector<96x8xi1>, vector<96x8xf32>
    %swap3A_329 = arith.constant 0 : index
    %swap3A_330 = arith.constant 0 : index
    %swap3A_331 = vector.load %arg3[%swap3A_329, %swap3A_330] : memref<96x8xf32, #tpu.memory_space<vmem>>, vector<96x8xf32>
    tpu.vector_store %arg3[%swap3A_329, %swap3A_330], %select_n3A_328 {strides = array<i32>} : memref<96x8xf32, #tpu.memory_space<vmem>>, vector<96x8xf32>,
    return
  }
}

module attributes {stable_mosaic.version = 14 : i64} {
  func.func @_expert_body(%arg0: i32, %arg1: memref<96xi32, #tpu.memory_space<smem>>, %arg2: memref<96xi32, #tpu.memory_space<smem>>, %arg3: memref<96xi32, #tpu.memory_space<smem>>, %arg4: memref<128x1024xf32, #tpu.memory_space<vmem>>, %arg5: memref<1x512x1024xf32, #tpu.memory_space<vmem>>, %arg6: memref<1x512x1024xf32, #tpu.memory_space<vmem>>, %arg7: memref<1x1024x512xf32, #tpu.memory_space<vmem>>, %arg8: memref<128x8xf32, #tpu.memory_space<vmem>>, %arg9: memref<128x1024xf32, #tpu.memory_space<vmem>>) attributes {dimension_semantics = [#tpu.dimension_semantics<arbitrary>], iteration_bounds = array<i64: 96>, scalar_prefetch = 3 : i64, scratch_operands = 0 : i64, tpu.core_type = #tpu.core_type<tc>, window_params = [{transform_indices = @transform_0, window_bounds = array<i64: 128, 1024>}, {transform_indices = @transform_1, window_bounds = array<i64: 1, 512, 1024>}, {transform_indices = @transform_2, window_bounds = array<i64: 1, 512, 1024>}, {transform_indices = @transform_3, window_bounds = array<i64: 1, 1024, 512>}, {transform_indices = @transform_4, window_bounds = array<i64: 128, 8>}, {transform_indices = @transform_5, window_bounds = array<i64: 128, 1024>}]} {
    %get3A = arith.constant 0 : index
    %get3A_0 = arith.constant 0 : index
    %get3A_1 = vector.load %arg4[%get3A, %get3A_0] : memref<128x1024xf32, #tpu.memory_space<vmem>>, vector<128x1024xf32>
    %get3A_2 = arith.constant 0 : index
    %get3A_3 = arith.constant 0 : index
    %get3A_4 = arith.constant 0 : index
    %get3A_5 = vector.load %arg5[%get3A_2, %get3A_3, %get3A_4] : memref<1x512x1024xf32, #tpu.memory_space<vmem>>, vector<1x512x1024xf32>
    %get3A_6 = vector.shape_cast %get3A_5 : vector<1x512x1024xf32> to vector<512x1024xf32>
    %dot_general3A = arith.constant dense<0.000000e+00> : vector<128x512xf32>
    %dot_general3A_7 = tpu.matmul %get3A_1, %get3A_6, %dot_general3A {dimension_numbers = #tpu.dot_dimension_numbers<[1], [1], [0], [0], [0, 0, 1, 0], [], []>, transpose_lhs_hint = false} : vector<128x1024xf32>, vector<512x1024xf32>, vector<128x512xf32> -> vector<128x512xf32>
    %get3A_8 = arith.constant 0 : index
    %get3A_9 = arith.constant 0 : index
    %get3A_10 = arith.constant 0 : index
    %get3A_11 = vector.load %arg6[%get3A_8, %get3A_9, %get3A_10] : memref<1x512x1024xf32, #tpu.memory_space<vmem>>, vector<1x512x1024xf32>
    %get3A_12 = vector.shape_cast %get3A_11 : vector<1x512x1024xf32> to vector<512x1024xf32>
    %dot_general3A_13 = arith.constant dense<0.000000e+00> : vector<128x512xf32>
    %dot_general3A_14 = tpu.matmul %get3A_1, %get3A_12, %dot_general3A_13 {dimension_numbers = #tpu.dot_dimension_numbers<[1], [1], [0], [0], [0, 0, 1, 0], [], []>, transpose_lhs_hint = false} : vector<128x1024xf32>, vector<512x1024xf32>, vector<128x512xf32> -> vector<128x512xf32>
    %neg3A = arith.constant 0.000000e+00 : f32
    %neg3A_15 = vector.broadcast %neg3A : f32 to vector<128x512xf32>
    %neg3A_16 = arith.subf %neg3A_15, %dot_general3A_7 : vector<128x512xf32>
    %exp3A = math.exp %neg3A_16 : vector<128x512xf32>
    %add3A = arith.constant 1.000000e+00 : f32
    %add3A_17 = vector.broadcast %add3A : f32 to vector<128x512xf32>
    %add3A_18 = arith.addf %add3A_17, %exp3A : vector<128x512xf32>
    %div3A = arith.divf %dot_general3A_7, %add3A_18 : vector<128x512xf32>
    %mul3A = arith.mulf %div3A, %dot_general3A_14 : vector<128x512xf32>
    %get3A_19 = arith.constant 0 : index
    %get3A_20 = arith.constant 0 : index
    %get3A_21 = arith.constant 0 : index
    %get3A_22 = vector.load %arg7[%get3A_19, %get3A_20, %get3A_21] : memref<1x1024x512xf32, #tpu.memory_space<vmem>>, vector<1x1024x512xf32>
    %get3A_23 = vector.shape_cast %get3A_22 : vector<1x1024x512xf32> to vector<1024x512xf32>
    %dot_general3A_24 = arith.constant dense<0.000000e+00> : vector<128x1024xf32>
    %dot_general3A_25 = tpu.matmul %mul3A, %get3A_23, %dot_general3A_24 {dimension_numbers = #tpu.dot_dimension_numbers<[1], [1], [0], [0], [0, 0, 1, 0], [], []>, transpose_lhs_hint = false} : vector<128x512xf32>, vector<1024x512xf32>, vector<128x1024xf32> -> vector<128x1024xf32>
    %get3A_26 = arith.constant 0 : index
    %get3A_27 = arith.constant 0 : index
    %get3A_28 = vector.load %arg8[%get3A_26, %get3A_27] : memref<128x8xf32, #tpu.memory_space<vmem>>, vector<128x8xf32>
    %slice3A = vector.extract_strided_slice %get3A_28 {offsets = [0, 0], sizes = [128, 1], strides = [1, 1]} : vector<128x8xf32> to vector<128x1xf32>
    %mul3A_29 = vector.broadcast %slice3A : vector<128x1xf32> to vector<128x1024xf32>
    %mul3A_30 = arith.mulf %dot_general3A_25, %mul3A_29 : vector<128x1024xf32>
    %swap3A = arith.constant 0 : index
    %swap3A_31 = arith.constant 0 : index
    %swap3A_32 = vector.load %arg9[%swap3A, %swap3A_31] : memref<128x1024xf32, #tpu.memory_space<vmem>>, vector<128x1024xf32>
    tpu.vector_store %arg9[%swap3A, %swap3A_31], %mul3A_30 {strides = array<i32>} : memref<128x1024xf32, #tpu.memory_space<vmem>>, vector<128x1024xf32>,
    return
  }
  func.func @transform_0(%arg0: i32, %arg1: memref<96xi32, #tpu.memory_space<smem>>, %arg2: memref<96xi32, #tpu.memory_space<smem>>, %arg3: memref<96xi32, #tpu.memory_space<smem>>) -> (i32, i32) {
    %get3A = arith.index_cast %arg0 : i32 to index
    %get3A_0 = memref.load %arg2[%get3A] : memref<96xi32, #tpu.memory_space<smem>>
    %c0_i32 = arith.constant 0 : i32
    %c0_i32_1 = arith.constant 0 : i32
    return %get3A_0, %c0_i32 : i32, i32
  }
  func.func @transform_1(%arg0: i32, %arg1: memref<96xi32, #tpu.memory_space<smem>>, %arg2: memref<96xi32, #tpu.memory_space<smem>>, %arg3: memref<96xi32, #tpu.memory_space<smem>>) -> (i32, i32, i32) {
    %get3A = arith.index_cast %arg0 : i32 to index
    %get3A_0 = memref.load %arg1[%get3A] : memref<96xi32, #tpu.memory_space<smem>>
    %c0_i32 = arith.constant 0 : i32
    %c0_i32_1 = arith.constant 0 : i32
    %c0_i32_2 = arith.constant 0 : i32
    return %get3A_0, %c0_i32, %c0_i32_1 : i32, i32, i32
  }
  func.func @transform_2(%arg0: i32, %arg1: memref<96xi32, #tpu.memory_space<smem>>, %arg2: memref<96xi32, #tpu.memory_space<smem>>, %arg3: memref<96xi32, #tpu.memory_space<smem>>) -> (i32, i32, i32) {
    %get3A = arith.index_cast %arg0 : i32 to index
    %get3A_0 = memref.load %arg1[%get3A] : memref<96xi32, #tpu.memory_space<smem>>
    %c0_i32 = arith.constant 0 : i32
    %c0_i32_1 = arith.constant 0 : i32
    %c0_i32_2 = arith.constant 0 : i32
    return %get3A_0, %c0_i32, %c0_i32_1 : i32, i32, i32
  }
  func.func @transform_3(%arg0: i32, %arg1: memref<96xi32, #tpu.memory_space<smem>>, %arg2: memref<96xi32, #tpu.memory_space<smem>>, %arg3: memref<96xi32, #tpu.memory_space<smem>>) -> (i32, i32, i32) {
    %get3A = arith.index_cast %arg0 : i32 to index
    %get3A_0 = memref.load %arg1[%get3A] : memref<96xi32, #tpu.memory_space<smem>>
    %c0_i32 = arith.constant 0 : i32
    %c0_i32_1 = arith.constant 0 : i32
    %c0_i32_2 = arith.constant 0 : i32
    return %get3A_0, %c0_i32, %c0_i32_1 : i32, i32, i32
  }
  func.func @transform_4(%arg0: i32, %arg1: memref<96xi32, #tpu.memory_space<smem>>, %arg2: memref<96xi32, #tpu.memory_space<smem>>, %arg3: memref<96xi32, #tpu.memory_space<smem>>) -> (i32, i32) {
    %get3A = arith.index_cast %arg0 : i32 to index
    %get3A_0 = memref.load %arg2[%get3A] : memref<96xi32, #tpu.memory_space<smem>>
    %c0_i32 = arith.constant 0 : i32
    %c0_i32_1 = arith.constant 0 : i32
    return %get3A_0, %c0_i32 : i32, i32
  }
  func.func @transform_5(%arg0: i32, %arg1: memref<96xi32, #tpu.memory_space<smem>>, %arg2: memref<96xi32, #tpu.memory_space<smem>>, %arg3: memref<96xi32, #tpu.memory_space<smem>>) -> (i32, i32) {
    %get3A = arith.index_cast %arg0 : i32 to index
    %get3A_0 = memref.load %arg3[%get3A] : memref<96xi32, #tpu.memory_space<smem>>
    %c0_i32 = arith.constant 0 : i32
    %c0_i32_1 = arith.constant 0 : i32
    return %get3A_0, %c0_i32 : i32, i32
  }
}

</mosaic_0001>

<sc_bundles>
// kernel: kernel.6.cloned.1.call-start
scs
__scs_entry_jumppad:
0x0: {  	(pc) =	sbr.rel $0x88, $3  }
0x1: {  	(tag) =	ssettag $0x0;
	lr =	simm.s32 $0x1  }
0x2: {  	[smem:$0x3F9C] =	sst lr;
	_ =	strace $0xD0000000  }
0x3: {  	_ = 	snop  }
0x4: {  	_ = 	snop  }
0x5: {  	_ = 	snop  }
0x6: {  	_ = 	snop  }
0x7: {  	_ = 	snop  }
__scs_overlays_trampoline_lowered:
0x8: {  	[smem:$0x3FAB] =	sst s0  }
0x9: {  	[smem:$0x3FAC] =	sst s1  }
0xa: {  	[smem:$0x3FAD] =	sst s2  }
0xb: {  	[smem:$0x3FAE] =	sst s3  }
0xc: {  	[smem:$0x3FAF] =	sst s4  }
0xd: {  	[smem:$0x3FB0] =	sst s5  }
0xe: {  	[smem:$0x3FB1] =	sst s6  }
0xf: {  	[smem:$0x3FB2] =	sst s7  }
0x10: {  	[smem:$0x3FB3] =	sst s8  }
0x11: {  	[smem:$0x3FB4] =	sst s9;
	s0 =	simm.s32 @!p0 $0x0  }
0x12: {  	s1 =	sld [smem:$0x3F9A];
	s0 =	simm.s32 @p0 $0x1  }
0x13: {  	[smem:$0x3FB5] =	sst s0;
	s0 =	simm.s32 @!p1 $0x0  }
0x14: {  	s2 =	sld [smem:$0x3F99];
	s0 =	simm.s32 @p1 $0x1  }
0x15: {  	[smem:$0x3FB6] =	sst s0;
	s0 =	simm.s32 @!p2 $0x0  }
0x16: {  	s3 =	sld [smem:$0x3FDB];
	s0 =	simm.s32 @p2 $0x1  }
0x17: {  	s4 =	simm.s32 $0x1BF5;
	[smem:$0x3FB8] =	sst s0  }
0x18: {  	s0 =	sld [smem:$0x3F9B];
	_ =	swait.ge [sflag:s4], $0x0  }
0x19: {  	s7 =	sld [smem:$0x3F9C]  }
0x1a: {  	s8 =	sadd.s32 $0xFFFFE003, lr  }
0x1b: {  	s9 =	sadd.s32 $0xFFFFFEF7, lr;
	s5 =	simm.s32 $0xFFFFFFFF;
	p2 =	slt.u32 s8, $0xFFFFF086  }
0x1c: {  	p1 =	slt.u32 s9, $0xF7A;
	s5 =	simm.s32 @!p2 $0x0  }
0x1d: {  	s5 =	simm.s32 @p1 $0x1;
	p0 =	seq.s32 s7, s2  }
0x1e: {  	s7 =	smul.u32 @!p0 $0xF7A, s2;
	p2 =	seq.s32 @!p0 s5, $0x0  }
0x1f: {  	s9 =	smul.u32 $0xF7A, s1;
	s8 =	simm.s32 @!p0 $0x1BF5;
	p2 =	por !p2, p0  }
0x20: {  	[sflag:s8] =	ssyncset.s32 @!p0 $0xFFFFF086;
	s6 =	sadd.s32 @!p0 s3, s7;
	s7 =	simm.s32 @!p0 $0x108  }
0x21: {  	s3 =	sadd.s32 s3, s9;
	s6 =	sadd.s32 @!p0 $0x88, s6;
	s7 =	simm.s32 @p2 $0x1082  }
0x22: {  	[simem:s7], [sflag:s8] =	dma.local @!p0 [hbm:s6], $0xF7A  }
0x23: {  	s9 =	sor.u32 $0xD0000000, s2;
	s6 =	simm.s32 $0x108;
	_ =	swait.ge @!p0 [sflag:s8], $0x0  }
0x24: {  	s3 =	sadd.s32 $0x88, s3;
	s6 =	simm.s32 @!p1 $0x1082;
	[sflag:s4] =	ssyncset.s32 $0xFFFFF086  }
0x25: {  	[simem:s6], [sflag:s4] =	dma.local [hbm:s3], $0xF7A  }
0x26: {  	[smem:$0x3F9C] =	sst s1;
	(tag) =	ssettag s2;
	_ =	strace s9  }
0x27: {  	s1 =	sld [smem:$0x3FAC]  }
0x28: {  	s2 =	sld [smem:$0x3FAD]  }
0x29: {  	s4 =	sld [smem:$0x3FAF]  }
0x2a: {  	p0 =	seq.s32 s5, $0x0;
	s5 =	sld [smem:$0x3FB0]  }
0x2b: {  	s6 =	sld [smem:$0x3FB1]  }
0x2c: {  	s7 =	sld [smem:$0x3FB2]  }
0x2d: {  	s3 =	simm.s32 $0x108;
	s8 =	sld [smem:$0x3FB3]  }
0x2e: {  	s3 =	simm.s32 @!p0 $0x1082;
	s9 =	sld [smem:$0x3FB4]  }
0x2f: {  	lr =	sadd.s32 s0, s3;
	s0 =	sld [smem:$0x3FAB]  }
0x30: {  	s3 =	sld [smem:$0x3FAE]  }
0x31: {  	[smem:$0x3FB7] =	sst s10  }
0x32: {  	s10 =	sld [smem:$0x3FB5];
	_ =	sdelay $0x3  }
0x33: {  	p0 =	seq.s32 s10, $0x1;
	s10 =	sld [smem:$0x3FB7];
	_ =	sdelay $0x3  }
0x34: {  	[smem:$0x3FB7] =	sst s10  }
0x35: {  	s10 =	sld [smem:$0x3FB6];
	_ =	sdelay $0x3  }
0x36: {  	p1 =	seq.s32 s10, $0x1;
	s10 =	sld [smem:$0x3FB7];
	_ =	sdelay $0x3  }
0x37: {  	[smem:$0x3FB7] =	sst s10  }
0x38: {  	s10 =	sld [smem:$0x3FB8]  }
0x39: {  	_ = 	snop;
	(pc) =	sbr.ind lr, $3  }
0x3a: {  	_ = 	snop  }
0x3b: {  	_ = 	snop  }
0x3c: {  	p2 =	seq.s32 s10, $0x1;
	s10 =	sld [smem:$0x3FB7]  }
0x3d: {  	_ =	shalt  }
0x3e: {  	_ =	shalt  }
0x3f: {  	_ =	shalt  }
0x40: {  	_ =	shalt  }
0x41: {  	_ =	shalt  }
0x42: {  	_ =	shalt  }
0x43: {  	_ =	shalt  }
0x44: {  	_ =	shalt  }
0x45: {  	_ =	shalt  }
0x46: {  	_ =	shalt  }
0x47: {  	_ =	shalt  }
0x48: {  	_ =	shalt  }
0x49: {  	_ =	shalt  }
0x4a: {  	_ =	shalt  }
0x4b: {  	_ =	shalt  }
0x4c: {  	_ =	shalt  }
0x4d: {  	_ =	shalt  }
0x4e: {  	_ =	shalt  }
0x4f: {  	_ =	shalt  }
0x50: {  	_ =	shalt  }
0x51: {  	_ =	shalt  }
0x52: {  	_ =	shalt  }
0x53: {  	_ =	shalt  }
0x54: {  	_ =	shalt  }
0x55: {  	_ =	shalt  }
0x56: {  	_ =	shalt  }
0x57: {  	_ =	shalt  }
0x58: {  	_ =	shalt  }
0x59: {  	_ =	shalt  }
0x5a: {  	_ =	shalt  }
0x5b: {  	_ =	shalt  }
0x5c: {  	_ =	shalt  }
0x5d: {  	_ =	shalt  }
0x5e: {  	_ =	shalt  }
0x5f: {  	_ =	shalt  }
0x60: {  	_ =	shalt  }
0x61: {  	_ =	shalt  }
0x62: {  	_ =	shalt  }
0x63: {  	_ =	shalt  }
0x64: {  	_ =	shalt  }
0x65: {  	_ =	shalt  }
0x66: {  	_ =	shalt  }
0x67: {  	_ =	shalt  }
0x68: {  	_ =	shalt  }
0x69: {  	_ =	shalt  }
0x6a: {  	_ =	shalt  }
0x6b: {  	_ =	shalt  }
0x6c: {  	_ =	shalt  }
0x6d: {  	_ =	shalt  }
0x6e: {  	_ =	shalt  }
0x6f: {  	_ =	shalt  }
0x70: {  	_ =	shalt  }
0x71: {  	_ =	shalt  }
0x72: {  	_ =	shalt  }
0x73: {  	_ =	shalt  }
0x74: {  	_ =	shalt  }
0x75: {  	_ =	shalt  }
0x76: {  	_ =	shalt  }
0x77: {  	_ =	shalt  }
0x78: {  	_ =	shalt  }
0x79: {  	_ =	shalt  }
0x7a: {  	_ =	shalt  }
0x7b: {  	_ =	shalt  }
0x7c: {  	_ =	shalt  }
0x7d: {  	_ =	shalt  }
0x7e: {  	_ =	shalt  }
0x7f: {  	_ =	shalt  }
0x80: {  	_ =	shalt  }
0x81: {  	_ =	shalt  }
0x82: {  	_ =	shalt  }
0x83: {  	_ =	shalt  }
0x84: {  	_ =	shalt  }
0x85: {  	_ =	shalt  }
0x86: {  	_ =	shalt  }
0x87: {  	_ =	shalt  }
.Lfunc_end0:
.L_simem_size_0:
called_computation_lowered:
.L_overlay_start_0:
0x88: {  	s2 =	sld [smem:$0x3FD9]  }
0x89: {  	s3 =	sld [smem:$0x3FFE];
	_ =	sdelay $0x1  }
0x8a: {  	s1 =	srdreg.scid  }
0x8b: {  	s0 =	sand.u32 $0x1, s1  }
0x8c: {  	s17 =	sshll.u32 s0, $0xA;
	s2 =	sadd.s32 s3, s2  }
0x8d: {  	s2 =	sadd.s32 s2, s17  }
0x8e: {  	[smem:$0x3FC3] =	sst s2  }
0x8f: {  	_ = 	snop  }
0x90: {  	s2 =	sld [smem:$0x3FC9]  }
0x91: {  	s18 =	sld [smem:$0x3FD0];
	(tm) =	ssettm $0x1  }
0x92: {  	s4 =	sld [smem:$0x3FFB];
	_ =	sdelay $0x3  }
0x93: {  	_ =	strace s4  }
0x94: {  	s4 =	sld [smem:$0x3FFC];
	_ =	sdelay $0x3  }
0x95: {  	_ =	strace s4  }
0x96: {  	s4 =	sld [smem:$0x3FFD];
	_ =	sdelay $0x3  }
0x97: {  	_ =	strace s4  }
0x98: {  	_ =	strace $0x8FFFFFFF  }
0x99: {  	s19 =	sld [smem:$0x3FDB];
	_ =	sdelay $0x1  }
0x9a: {  	s5 =	simm.s32 $_scs_section_size  }
0x9b: {  	s6 =	simm.s32 $_size__tile_overlayer_lowered;
	s7 =	simm.s32 $_tile_overlayer_lowered  }
0x9c: {  	s22 =	simm.s32 $0x1BFF;
	s21 =	sshll.u32 s7, $0x1;
	s4 =	sadd.s32 s5, s19  }
0x9d: {  	s8 =	simm.s32 $0x0;
	s20 =	sshll.u32 s6, $0x1;
	s6 =	sadd.s32 s21, s4  }
0x9e: {  	[timem:s8], [sflag:s22] =	dma.local [hbm:s6], s20  }
0x9f: {  	_ =	swait.ge [sflag:s22], s20  }
0xa0: {  	s5 =	ssub.s32 $0x0, s20;
	[sflag:s22] =	ssyncset.done $0x0  }
0xa1: {  	[sflag:s22] =	ssyncadd.s32 s5;
	_ =	sdelay $0x1  }
0xa2: {  	s23 =	simm.s32 $0x1B8B  }
0xa3: {  	_ =	swait.ge [sflag:s23], $0x1  }
0xa4: {  	[sflag:s23] =	ssyncset.done $0x0  }
0xa5: {  	s25 =	simm.s32 $0x1B8E;
	s24 =	sld [smem:$0x3FFE];
	[sflag:s23] =	ssyncadd.s32 $0xFFFFFFFF  }
0xa6: {  	s26 =	simm.s32 $execute0_lowered;
	[smem:$0x3FD2] =	sst s25  }
0xa7: {  	s6 =	sshll.u32 s26, $0x1;
	_ =	strace $0x80000046;
	[dreg:$0x1] =	wrdreg $0xFFFFFFFF  }
0xa8: {  	s28 =	simm.s32 $_size_execute0_lowered;
	s4 =	sadd.s32 s4, s6;
	[dreg:$0x0] =	wrdreg $0x0  }
0xa9: {  	s6 =	sshll.u32 s28, $0x1;
	[dreg:$0x2] =	wrdreg s4  }
0xaa: {  	[dreg:$0x3] =	wrdreg s6  }
0xab: {  	[dreg:$0x4] =	wrdreg $0xC0  }
0xac: {  	_ =	task [dreg:s8], $0x5FFFF  }
0xad: {  	[dreg:$0x1] =	wrdreg $0xFFFFFFFF  }
0xae: {  	[dreg:$0x0] =	wrdreg $0x60  }
0xaf: {  	[dreg:$0x2] =	wrdreg s2  }
0xb0: {  	[dreg:$0x3] =	wrdreg s18  }
0xb1: {  	[dreg:$0x4] =	wrdreg s24  }
0xb2: {  	[dreg:$0x5] =	wrdreg $0x9  }
0xb3: {  	_ =	task.clear_ibuf [dreg:s8], $0x6FFFF;
	_ =	strace $0x90000046  }
0xb4: {  	s29 =	simm.s32 $0x9;
	_ =	strace $0x80000048  }
0xb5: {  	_ =	swait.ge [sflag:s29], $0x1  }
0xb6: {  	[sflag:s29] =	ssyncadd.s32 $0xFFFFFFFF  }
0xb7: {  	_ =	strace $0x90000048  }
0xb8: {  	_ =	sfence  }
0xb9: {  	s30 =	sld [smem:$0x0];
	_ =	sdelay $0x2  }
0xba: {  	s31 =	sshll.u32 s1, $0xD;
	s1 =	sshrl.u32 s1, $0x2  }
0xbb: {  	s3 =	sand.u32 $0x4000, s31;
	s1 =	sadd.s32 s1, s30  }
0xbc: {  	s0 =	sor.u32 s3, s0;
	s1 =	sshll.u32 s1, $0x11  }
0xbd: {  	s0 =	sor.u32 s1, s0  }
0xbe: {  	s0 =	sadd.s32 $0x8F2B, s0  }
0xbf: {  	[sflag:s0] =	ssyncadd.remote.s32 $0x1  }
0xc0: {  	_ =	sfence.sel $0xFFFF  }
0xc1: {  	[dreg:$0x0] =	wrdreg $0xFFFFFFFF;
	(pc) =	sbr.abs _section_cstart, $3  }
0xc2: {  	[dreg:$0x1] =	wrdreg $0xFFFFFFFF  }
0xc3: {  	_ =	task.clear_ibuf [dreg:s8], $0x2FFFF;
	_ =	strace $0x9FFFFFFF  }
0xc4: {  	(tm) =	ssettm $0x7FFFFFFF  }
0xc5: {  	_ =	shalt  }
tec
execute0_lowered:
.L_overlay_start_1:
0x0: {  	(tag) =	ssettag $0x1  }
0x1: {  	s1 =	rddreg [dreg:$0x0]  }
0x2: {  	s0 =	rddreg [dreg:$0x1]  }
0x3: {  	s2 =	rddreg [dreg:$0x2]  }
0x4: {  	s3 =	srdreg.scid;
	s4 =	stileid.u32;
	s23 =	simm.s32 $0x200  }
0x5: {  	s24 =	simm.s32 $0x80;
	s5 =	sand.u32 $0x1, s3;
	s3 =	simm.s32 $0x0  }
0x6: {  	s25 =	simm.s32 $0x280;
	s26 =	simm.s32 $0x100;
	[smem:$0x7FF] =	sst s3  }
0x7: {  	s29 =	simm.s32 $0x300;
	_ =	strace $0x80000047;
	[dreg:$0xc] =	wrdreg s23  }
0x8: {  	s30 =	simm.s32 $0x180;
	s31 =	simm.s32 $0x380;
	[dreg:$0xd] =	wrdreg s24  }
0x9: {  	s12 =	simm.s32 $0x7;
	s4 =	sshll.u32 s4, $0x5;
	[dreg:$0xe] =	wrdreg s25  }
0xa: {  	s9 =	sadd.s32 $0x400, s2;
	s10 =	sadd.s32 $0x500, s2;
	[dreg:$0xf] =	wrdreg s26  }
0xb: {  	s6 =	sshll.u32 s5, $0x4;
	s5 =	ssub.s32 $0x2, s5;
	[dreg:$0x10] =	wrdreg s29  }
0xc: {  	s6 =	sor.u32 s6, s4;
	s21 =	sshrl.u32 s5, $0x1;
	[dreg:$0x11] =	wrdreg s30  }
0xd: {  	[dreg:$0x12] =	wrdreg s31;
	s4 =	sadd.s32 s0, s6;
	s17 =	sadd.s32 s2, s6  }
0xe: {  	s7 =	sor.u32 $0x4, s6;
	s8 =	sor.u32 $0x8, s6;
	[dreg:$0x4] =	wrdreg s4  }
0xf: {  	s6 =	sor.u32 $0xC, s6;
	[dreg:$0x5] =	wrdreg s17;
	s18 =	sadd.s32 s0, s7  }
0x10: {  	s11 =	ssub.s32 s5, s21;
	s7 =	sadd.s32 s2, s7;
	[dreg:$0x6] =	wrdreg s18  }
0x11: {  	s5 =	sadd.s32 $0x100, s1;
	s19 =	sadd.s32 s0, s8;
	[dreg:$0x7] =	wrdreg s7  }
0x12: {  	s4 =	sadd.s32 $0x200, s2;
	s20 =	sadd.s32 s2, s8;
	[dreg:$0x8] =	wrdreg s19  }
0x13: {  	v2 =	vlaneseq.u32;
	s0 =	sadd.s32 s0, s6;
	s22 =	sadd.s32 s2, s6;
	[dreg:$0x9] =	wrdreg s20  }
0x14: {  	vm0 =	vmmov $0xffff;
	v1 =	vshrl.u32 v2, $0x3;
	s6 =	sadd.s32 $0x200, s1;
	s8 =	sadd.s32 $0x300, s2;
	[dreg:$0xa] =	wrdreg s0  }
0x15: {  	v0 =	vand.u32 $0x7, v2;
	v2 =	vor.u32 $0x8, v2;
	v1 =	vmul.u32 $0x8, v1;
	s28 =	smax.u32 s11, $0x1;
	[dreg:$0xb] =	wrdreg s22;
	s7 =	sadd.s32 $0x300, s1  }
.LBB2_1:
0x16: {  	s0 =	rddreg [dreg:$0x4]  }
0x17: {  	[tilespmem:s3], [sflag:$0x7] =	stream.linear.gather [hbm4b:s0+s3], $0x20, $0x38;
	[tilespmem:$0x18400] =	vst v63  }
0x18: {  	_ =	swait.ge [sflag:s12], $0x20  }
0x19: {  	s16 =	rddreg [dreg:$0x5];
	[sflag:s12] =	ssyncset.done $0x0  }
0x1a: {  	s31 =	rddreg [dreg:$0xc];
	[sflag:s12] =	ssyncadd.s32 $0xFFFFFFE0  }
0x1b: {  	[tilespmem:s31], [sflag:$0x7] =	stream.linear.gather [hbm4b:s16+s3], $0x20, $0x38;
	[tilespmem:$0x18400] =	vst v63  }
0x1c: {  	_ =	swait.ge [sflag:s12], $0x20  }
0x1d: {  	s17 =	rddreg [dreg:$0x6];
	[sflag:s12] =	ssyncset.done $0x0  }
0x1e: {  	s18 =	rddreg [dreg:$0xd];
	[sflag:s12] =	ssyncadd.s32 $0xFFFFFFE0  }
0x1f: {  	[tilespmem:s18], [sflag:$0x7] =	stream.linear.gather [hbm4b:s17+s3], $0x20, $0x38;
	[tilespmem:$0x18400] =	vst v63  }
0x20: {  	_ =	swait.ge [sflag:s12], $0x20  }
0x21: {  	s19 =	rddreg [dreg:$0x7];
	[sflag:s12] =	ssyncset.done $0x0  }
0x22: {  	s20 =	rddreg [dreg:$0xe];
	[sflag:s12] =	ssyncadd.s32 $0xFFFFFFE0  }
0x23: {  	[tilespmem:s20], [sflag:$0x7] =	stream.linear.gather [hbm4b:s19+s3], $0x20, $0x38;
	[tilespmem:$0x18400] =	vst v63  }
0x24: {  	_ =	swait.ge [sflag:s12], $0x20  }
0x25: {  	s21 =	rddreg [dreg:$0x8];
	[sflag:s12] =	ssyncset.done $0x0  }
0x26: {  	s22 =	rddreg [dreg:$0xf];
	[sflag:s12] =	ssyncadd.s32 $0xFFFFFFE0  }
0x27: {  	[tilespmem:s22], [sflag:$0x7] =	stream.linear.gather [hbm4b:s21+s3], $0x20, $0x38;
	[tilespmem:$0x18400] =	vst v63  }
0x28: {  	_ =	swait.ge [sflag:s12], $0x20  }
0x29: {  	s23 =	rddreg [dreg:$0x9];
	[sflag:s12] =	ssyncset.done $0x0  }
0x2a: {  	s24 =	rddreg [dreg:$0x10];
	[sflag:s12] =	ssyncadd.s32 $0xFFFFFFE0  }
0x2b: {  	[tilespmem:s24], [sflag:$0x7] =	stream.linear.gather [hbm4b:s23+s3], $0x20, $0x38;
	[tilespmem:$0x18400] =	vst v63  }
0x2c: {  	_ =	swait.ge [sflag:s12], $0x20  }
0x2d: {  	s25 =	rddreg [dreg:$0xa];
	[sflag:s12] =	ssyncset.done $0x0  }
0x2e: {  	s26 =	rddreg [dreg:$0x11];
	[sflag:s12] =	ssyncadd.s32 $0xFFFFFFE0  }
0x2f: {  	[tilespmem:s26], [sflag:$0x7] =	stream.linear.gather [hbm4b:s25+s3], $0x20, $0x38;
	[tilespmem:$0x18400] =	vst v63  }
0x30: {  	_ =	swait.ge [sflag:s12], $0x20  }
0x31: {  	s29 =	rddreg [dreg:$0xb];
	[sflag:s12] =	ssyncset.done $0x0  }
0x32: {  	s30 =	rddreg [dreg:$0x12];
	[sflag:s12] =	ssyncadd.s32 $0xFFFFFFE0  }
0x33: {  	[tilespmem:s30], [sflag:$0x7] =	stream.linear.gather [hbm4b:s29+s3], $0x20, $0x38;
	[tilespmem:$0x18400] =	vst v63  }
0x34: {  	_ =	swait.ge [sflag:s12], $0x20  }
0x35: {  	[sflag:s12] =	ssyncset.done $0x0  }
0x36: {  	[sflag:s12] =	ssyncadd.s32 $0xFFFFFFE0  }
0x37: {  	v3 =	vld [tilespmem:$0x0];
	_ =	sdelay $0x4  }
0x38: {  	v4 =	vshll.u32 v3, $0x3  }
0x39: {  	v3 =	vand.u32 $0x7, v3;
	v4 =	vand.u32 $0xFFFFFFC0, v4  }
0x3a: {  	v3 =	vor.u32 v3, v4  }
0x3b: {  	v4 =	vperm.xlane v3, v0;
	_ =	sdelay $0x1  }
0x3c: {  	v4 =	vadd.s32 v1, v4;
	_ =	sdelay $0x3  }
0x3d: {  	s31 =	simm.s32 $0x400  }
0x3e: {  	[tilespmem:s31], [sflag:$0x1] =	stream.indirect_vreg.gather [hbm4b:s1+s3], $0x80, v4, vm0, $0xb8;
	[tilespmem:$0x18400] =	vst v63  }
0x3f: {  	s2 =	simm.s32 $0xC00;
	v3 =	vperm.xlane v3, v2  }
0x40: {  	[tilespmem:s2], [sflag:$0x1] =	stream.indirect_vreg.gather [hbm4b:s5+s3], $0x80, v4, vm0, $0xb8;
	[tilespmem:$0x18400] =	vst v63  }
0x41: {  	s13 =	simm.s32 $0x1400;
	v3 =	vadd.s32 v1, v3  }
0x42: {  	[tilespmem:s13], [sflag:$0x1] =	stream.indirect_vreg.gather [hbm4b:s6+s3], $0x80, v4, vm0, $0xb8;
	[tilespmem:$0x18400] =	vst v63  }
0x43: {  	s14 =	simm.s32 $0x1C00  }
0x44: {  	[tilespmem:s14], [sflag:$0x1] =	stream.indirect_vreg.gather [hbm4b:s7+s3], $0x80, v4, vm0, $0xb8;
	[tilespmem:$0x18400] =	vst v63  }
0x45: {  	s15 =	simm.s32 $0x2400  }
0x46: {  	[tilespmem:s15], [sflag:$0x1] =	stream.indirect_vreg.gather [hbm4b:s1+s3], $0x80, v3, vm0, $0xb8;
	[tilespmem:$0x18400] =	vst v63  }
0x47: {  	s16 =	simm.s32 $0x2C00  }
0x48: {  	[tilespmem:s16], [sflag:$0x1] =	stream.indirect_vreg.gather [hbm4b:s5+s3], $0x80, v3, vm0, $0xb8;
	[tilespmem:$0x18400] =	vst v63  }
0x49: {  	s17 =	simm.s32 $0x3400  }
0x4a: {  	[tilespmem:s17], [sflag:$0x1] =	stream.indirect_vreg.gather [hbm4b:s6+s3], $0x80, v3, vm0, $0xb8;
	[tilespmem:$0x18400] =	vst v63  }
0x4b: {  	s18 =	simm.s32 $0x3C00  }
0x4c: {  	[tilespmem:s18], [sflag:$0x1] =	stream.indirect_vreg.gather [hbm4b:s7+s3], $0x80, v3, vm0, $0xb8;
	[tilespmem:$0x18400] =	vst v63  }
0x4d: {  	v3 =	vld [tilespmem:$0x10];
	_ =	sdelay $0x4  }
0x4e: {  	v49 =	vshll.u32 v3, $0x3  }
0x4f: {  	v3 =	vand.u32 $0x7, v3;
	v4 =	vand.u32 $0xFFFFFFC0, v49  }
0x50: {  	v3 =	vor.u32 v3, v4  }
0x51: {  	v4 =	vperm.xlane v3, v0;
	_ =	sdelay $0x1  }
0x52: {  	v4 =	vadd.s32 v1, v4;
	_ =	sdelay $0x3  }
0x53: {  	s19 =	simm.s32 $0x4400  }
0x54: {  	[tilespmem:s19], [sflag:$0x1] =	stream.indirect_vreg.gather [hbm4b:s1+s3], $0x80, v4, vm0, $0xb8;
	[tilespmem:$0x18400] =	vst v63  }
0x55: {  	s20 =	simm.s32 $0x4C00;
	v3 =	vperm.xlane v3, v2  }
0x56: {  	[tilespmem:s20], [sflag:$0x1] =	stream.indirect_vreg.gather [hbm4b:s5+s3], $0x80, v4, vm0, $0xb8;
	[tilespmem:$0x18400] =	vst v63  }
0x57: {  	s21 =	simm.s32 $0x5400;
	v3 =	vadd.s32 v1, v3  }
0x58: {  	[tilespmem:s21], [sflag:$0x1] =	stream.indirect_vreg.gather [hbm4b:s6+s3], $0x80, v4, vm0, $0xb8;
	[tilespmem:$0x18400] =	vst v63  }
0x59: {  	s22 =	simm.s32 $0x5C00  }
0x5a: {  	[tilespmem:s22], [sflag:$0x1] =	stream.indirect_vreg.gather [hbm4b:s7+s3], $0x80, v4, vm0, $0xb8;
	[tilespmem:$0x18400] =	vst v63  }
0x5b: {  	s23 =	simm.s32 $0x6400  }
0x5c: {  	[tilespmem:s23], [sflag:$0x1] =	stream.indirect_vreg.gather [hbm4b:s1+s3], $0x80, v3, vm0, $0xb8;
	[tilespmem:$0x18400] =	vst v63  }
0x5d: {  	s24 =	simm.s32 $0x6C00  }
0x5e: {  	[tilespmem:s24], [sflag:$0x1] =	stream.indirect_vreg.gather [hbm4b:s5+s3], $0x80, v3, vm0, $0xb8;
	[tilespmem:$0x18400] =	vst v63  }
0x5f: {  	s25 =	simm.s32 $0x7400  }
0x60: {  	[tilespmem:s25], [sflag:$0x1] =	stream.indirect_vreg.gather [hbm4b:s6+s3], $0x80, v3, vm0, $0xb8;
	[tilespmem:$0x18400] =	vst v63  }
0x61: {  	s26 =	simm.s32 $0x7C00  }
0x62: {  	[tilespmem:s26], [sflag:$0x1] =	stream.indirect_vreg.gather [hbm4b:s7+s3], $0x80, v3, vm0, $0xb8;
	[tilespmem:$0x18400] =	vst v63  }
0x63: {  	v3 =	vld [tilespmem:$0x80];
	_ =	sdelay $0x4  }
0x64: {  	v50 =	vshll.u32 v3, $0x3  }
0x65: {  	v3 =	vand.u32 $0x7, v3;
	v4 =	vand.u32 $0xFFFFFFC0, v50  }
0x66: {  	v3 =	vor.u32 v3, v4  }
0x67: {  	v4 =	vperm.xlane v3, v0;
	_ =	sdelay $0x1  }
0x68: {  	v4 =	vadd.s32 v1, v4;
	_ =	sdelay $0x3  }
0x69: {  	s26 =	simm.s32 $0x8400  }
0x6a: {  	[tilespmem:s26], [sflag:$0x2] =	stream.indirect_vreg.gather [hbm4b:s1+s3], $0x80, v4, vm0, $0xb8;
	[tilespmem:$0x18400] =	vst v63  }
0x6b: {  	s31 =	simm.s32 $0x8C00;
	v3 =	vperm.xlane v3, v2  }
0x6c: {  	[tilespmem:s31], [sflag:$0x2] =	stream.indirect_vreg.gather [hbm4b:s5+s3], $0x80, v4, vm0, $0xb8;
	[tilespmem:$0x18400] =	vst v63  }
0x6d: {  	s13 =	simm.s32 $0x9400;
	v3 =	vadd.s32 v1, v3  }
0x6e: {  	[tilespmem:s13], [sflag:$0x2] =	stream.indirect_vreg.gather [hbm4b:s6+s3], $0x80, v4, vm0, $0xb8;
	[tilespmem:$0x18400] =	vst v63  }
0x6f: {  	s2 =	simm.s32 $0x9C00  }
0x70: {  	[tilespmem:s2], [sflag:$0x2] =	stream.indirect_vreg.gather [hbm4b:s7+s3], $0x80, v4, vm0, $0xb8;
	[tilespmem:$0x18400] =	vst v63  }
0x71: {  	s14 =	simm.s32 $0xA400  }
0x72: {  	[tilespmem:s14], [sflag:$0x2] =	stream.indirect_vreg.gather [hbm4b:s1+s3], $0x80, v3, vm0, $0xb8;
	[tilespmem:$0x18400] =	vst v63  }
0x73: {  	s15 =	simm.s32 $0xAC00  }
0x74: {  	[tilespmem:s15], [sflag:$0x2] =	stream.indirect_vreg.gather [hbm4b:s5+s3], $0x80, v3, vm0, $0xb8;
	[tilespmem:$0x18400] =	vst v63  }
0x75: {  	s16 =	simm.s32 $0xB400  }
0x76: {  	[tilespmem:s16], [sflag:$0x2] =	stream.indirect_vreg.gather [hbm4b:s6+s3], $0x80, v3, vm0, $0xb8;
	[tilespmem:$0x18400] =	vst v63  }
0x77: {  	s17 =	simm.s32 $0xBC00  }
0x78: {  	[tilespmem:s17], [sflag:$0x2] =	stream.indirect_vreg.gather [hbm4b:s7+s3], $0x80, v3, vm0, $0xb8;
	[tilespmem:$0x18400] =	vst v63  }
0x79: {  	v3 =	vld [tilespmem:$0x90];
	_ =	sdelay $0x4  }
0x7a: {  	v51 =	vshll.u32 v3, $0x3  }
0x7b: {  	v3 =	vand.u32 $0x7, v3;
	v4 =	vand.u32 $0xFFFFFFC0, v51  }
0x7c: {  	v3 =	vor.u32 v3, v4  }
0x7d: {  	v4 =	vperm.xlane v3, v0;
	_ =	sdelay $0x1  }
0x7e: {  	v4 =	vadd.s32 v1, v4;
	_ =	sdelay $0x3  }
0x7f: {  	s18 =	simm.s32 $0xC400  }
0x80: {  	[tilespmem:s18], [sflag:$0x2] =	stream.indirect_vreg.gather [hbm4b:s1+s3], $0x80, v4, vm0, $0xb8;
	[tilespmem:$0x18400] =	vst v63  }
0x81: {  	s19 =	simm.s32 $0xCC00;
	v3 =	vperm.xlane v3, v2  }
0x82: {  	[tilespmem:s19], [sflag:$0x2] =	stream.indirect_vreg.gather [hbm4b:s5+s3], $0x80, v4, vm0, $0xb8;
	[tilespmem:$0x18400] =	vst v63  }
0x83: {  	s20 =	simm.s32 $0xD400;
	v3 =	vadd.s32 v1, v3  }
0x84: {  	[tilespmem:s20], [sflag:$0x2] =	stream.indirect_vreg.gather [hbm4b:s6+s3], $0x80, v4, vm0, $0xb8;
	[tilespmem:$0x18400] =	vst v63  }
0x85: {  	s21 =	simm.s32 $0xDC00  }
0x86: {  	[tilespmem:s21], [sflag:$0x2] =	stream.indirect_vreg.gather [hbm4b:s7+s3], $0x80, v4, vm0, $0xb8;
	[tilespmem:$0x18400] =	vst v63  }
0x87: {  	s22 =	simm.s32 $0xE400  }
0x88: {  	[tilespmem:s22], [sflag:$0x2] =	stream.indirect_vreg.gather [hbm4b:s1+s3], $0x80, v3, vm0, $0xb8;
	[tilespmem:$0x18400] =	vst v63  }
0x89: {  	s23 =	simm.s32 $0xEC00  }
0x8a: {  	[tilespmem:s23], [sflag:$0x2] =	stream.indirect_vreg.gather [hbm4b:s5+s3], $0x80, v3, vm0, $0xb8;
	[tilespmem:$0x18400] =	vst v63  }
0x8b: {  	s24 =	simm.s32 $0xF400  }
0x8c: {  	[tilespmem:s24], [sflag:$0x2] =	stream.indirect_vreg.gather [hbm4b:s6+s3], $0x80, v3, vm0, $0xb8;
	[tilespmem:$0x18400] =	vst v63  }
0x8d: {  	s0 =	simm.s32 $0x1;
	s25 =	simm.s32 $0xFC00  }
0x8e: {  	[tilespmem:s25], [sflag:$0x2] =	stream.indirect_vreg.gather [hbm4b:s7+s3], $0x80, v3, vm0, $0xb8;
	[tilespmem:$0x18400] =	vst v63  }
0x8f: {  	_ =	swait.ge [sflag:s0], $0x8000  }
0x90: {  	[sflag:s0] =	ssyncset.done $0x0  }
0x91: {  	[sflag:s0] =	ssyncadd.s32 $0xFFFF8000  }
0x92: {  	v3 =	vld [tilespmem:$0x200];
	_ =	sdelay $0x4  }
0x93: {  	v52 =	vshll.u32 v3, $0x3  }
0x94: {  	v3 =	vand.u32 $0x7, v3;
	v4 =	vand.u32 $0xFFFFFFC0, v52  }
0x95: {  	v3 =	vor.u32 v3, v4  }
0x96: {  	v4 =	vperm.xlane v3, v0;
	_ =	sdelay $0x1  }
0x97: {  	v4 =	vadd.s32 v1, v4;
	_ =	sdelay $0x3  }
0x98: {  	s11 =	simm.s32 $0x400  }
0x99: {  	[hbm4b:s4+s3] =	stream.indirect_vreg.scatter [tilespmem:s11], [sflag:$0x4], $0x80, v4, vm0, $0xb8;
	[tilespmem:$0x18400] =	vst v63  }
0x9a: {  	s29 =	simm.s32 $0xC00;
	v3 =	vperm.xlane v3, v2  }
0x9b: {  	[hbm4b:s8+s3] =	stream.indirect_vreg.scatter [tilespmem:s29], [sflag:$0x4], $0x80, v4, vm0, $0xb8;
	[tilespmem:$0x18400] =	vst v63  }
0x9c: {  	v3 =	vadd.s32 v1, v3;
	s29 =	simm.s32 $0x1400  }
0x9d: {  	[hbm4b:s9+s3] =	stream.indirect_vreg.scatter [tilespmem:s29], [sflag:$0x4], $0x80, v4, vm0, $0xb8;
	[tilespmem:$0x18400] =	vst v63  }
0x9e: {  	s29 =	simm.s32 $0x1C00  }
0x9f: {  	[hbm4b:s10+s3] =	stream.indirect_vreg.scatter [tilespmem:s29], [sflag:$0x4], $0x80, v4, vm0, $0xb8;
	[tilespmem:$0x18400] =	vst v63  }
0xa0: {  	s29 =	simm.s32 $0x2400  }
0xa1: {  	[hbm4b:s4+s3] =	stream.indirect_vreg.scatter [tilespmem:s29], [sflag:$0x4], $0x80, v3, vm0, $0xb8;
	[tilespmem:$0x18400] =	vst v63  }
0xa2: {  	s29 =	simm.s32 $0x2C00  }
0xa3: {  	[hbm4b:s8+s3] =	stream.indirect_vreg.scatter [tilespmem:s29], [sflag:$0x4], $0x80, v3, vm0, $0xb8;
	[tilespmem:$0x18400] =	vst v63  }
0xa4: {  	s29 =	simm.s32 $0x3400  }
0xa5: {  	[hbm4b:s9+s3] =	stream.indirect_vreg.scatter [tilespmem:s29], [sflag:$0x4], $0x80, v3, vm0, $0xb8;
	[tilespmem:$0x18400] =	vst v63  }
0xa6: {  	s30 =	simm.s32 $0x3C00  }
0xa7: {  	[hbm4b:s10+s3] =	stream.indirect_vreg.scatter [tilespmem:s30], [sflag:$0x4], $0x80, v3, vm0, $0xb8;
	[tilespmem:$0x18400] =	vst v63  }
0xa8: {  	v3 =	vld [tilespmem:$0x210];
	_ =	sdelay $0x4  }
0xa9: {  	v53 =	vshll.u32 v3, $0x3  }
0xaa: {  	v3 =	vand.u32 $0x7, v3;
	v4 =	vand.u32 $0xFFFFFFC0, v53  }
0xab: {  	v3 =	vor.u32 v3, v4  }
0xac: {  	v4 =	vperm.xlane v3, v0;
	_ =	sdelay $0x1  }
0xad: {  	v4 =	vadd.s32 v1, v4;
	_ =	sdelay $0x3  }
0xae: {  	s30 =	simm.s32 $0x4400  }
0xaf: {  	[hbm4b:s4+s3] =	stream.indirect_vreg.scatter [tilespmem:s30], [sflag:$0x4], $0x80, v4, vm0, $0xb8;
	[tilespmem:$0x18400] =	vst v63  }
0xb0: {  	s29 =	simm.s32 $0x4C00;
	v3 =	vperm.xlane v3, v2  }
0xb1: {  	[hbm4b:s8+s3] =	stream.indirect_vreg.scatter [tilespmem:s29], [sflag:$0x4], $0x80, v4, vm0, $0xb8;
	[tilespmem:$0x18400] =	vst v63  }
0xb2: {  	v3 =	vadd.s32 v1, v3;
	s30 =	simm.s32 $0x5400  }
0xb3: {  	[hbm4b:s9+s3] =	stream.indirect_vreg.scatter [tilespmem:s30], [sflag:$0x4], $0x80, v4, vm0, $0xb8;
	[tilespmem:$0x18400] =	vst v63  }
0xb4: {  	s29 =	simm.s32 $0x5C00  }
0xb5: {  	[hbm4b:s10+s3] =	stream.indirect_vreg.scatter [tilespmem:s29], [sflag:$0x4], $0x80, v4, vm0, $0xb8;
	[tilespmem:$0x18400] =	vst v63  }
0xb6: {  	s30 =	simm.s32 $0x6400  }
0xb7: {  	[hbm4b:s4+s3] =	stream.indirect_vreg.scatter [tilespmem:s30], [sflag:$0x4], $0x80, v3, vm0, $0xb8;
	[tilespmem:$0x18400] =	vst v63  }
0xb8: {  	s29 =	simm.s32 $0x6C00  }
0xb9: {  	[hbm4b:s8+s3] =	stream.indirect_vreg.scatter [tilespmem:s29], [sflag:$0x4], $0x80, v3, vm0, $0xb8;
	[tilespmem:$0x18400] =	vst v63  }
0xba: {  	s30 =	simm.s32 $0x7400  }
0xbb: {  	[hbm4b:s9+s3] =	stream.indirect_vreg.scatter [tilespmem:s30], [sflag:$0x4], $0x80, v3, vm0, $0xb8;
	[tilespmem:$0x18400] =	vst v63  }
0xbc: {  	s29 =	simm.s32 $0x7C00  }
0xbd: {  	[hbm4b:s10+s3] =	stream.indirect_vreg.scatter [tilespmem:s29], [sflag:$0x4], $0x80, v3, vm0, $0xb8;
	[tilespmem:$0x18400] =	vst v63  }
0xbe: {  	v3 =	vld [tilespmem:$0x100];
	_ =	sdelay $0x4  }
0xbf: {  	v54 =	vshll.u32 v3, $0x3  }
0xc0: {  	v3 =	vand.u32 $0x7, v3;
	v4 =	vand.u32 $0xFFFFFFC0, v54  }
0xc1: {  	v3 =	vor.u32 v3, v4  }
0xc2: {  	v4 =	vperm.xlane v3, v0;
	_ =	sdelay $0x1  }
0xc3: {  	v4 =	vadd.s32 v1, v4;
	_ =	sdelay $0x3  }
0xc4: {  	s30 =	simm.s32 $0x10400  }
0xc5: {  	[tilespmem:s30], [sflag:$0x3] =	stream.indirect_vreg.gather [hbm4b:s1+s3], $0x80, v4, vm0, $0xb8;
	[tilespmem:$0x18400] =	vst v63  }
0xc6: {  	s29 =	simm.s32 $0x10C00;
	v3 =	vperm.xlane v3, v2  }
0xc7: {  	[tilespmem:s29], [sflag:$0x3] =	stream.indirect_vreg.gather [hbm4b:s5+s3], $0x80, v4, vm0, $0xb8;
	[tilespmem:$0x18400] =	vst v63  }
0xc8: {  	v3 =	vadd.s32 v1, v3;
	s30 =	simm.s32 $0x11400  }
0xc9: {  	[tilespmem:s30], [sflag:$0x3] =	stream.indirect_vreg.gather [hbm4b:s6+s3], $0x80, v4, vm0, $0xb8;
	[tilespmem:$0x18400] =	vst v63  }
0xca: {  	s11 =	simm.s32 $0x11C00  }
0xcb: {  	[tilespmem:s11], [sflag:$0x3] =	stream.indirect_vreg.gather [hbm4b:s7+s3], $0x80, v4, vm0, $0xb8;
	[tilespmem:$0x18400] =	vst v63  }
0xcc: {  	s11 =	simm.s32 $0x12400  }
0xcd: {  	[tilespmem:s11], [sflag:$0x3] =	stream.indirect_vreg.gather [hbm4b:s1+s3], $0x80, v3, vm0, $0xb8;
	[tilespmem:$0x18400] =	vst v63  }
0xce: {  	s11 =	simm.s32 $0x12C00  }
0xcf: {  	[tilespmem:s11], [sflag:$0x3] =	stream.indirect_vreg.gather [hbm4b:s5+s3], $0x80, v3, vm0, $0xb8;
	[tilespmem:$0x18400] =	vst v63  }
0xd0: {  	s11 =	simm.s32 $0x13400  }
0xd1: {  	[tilespmem:s11], [sflag:$0x3] =	stream.indirect_vreg.gather [hbm4b:s6+s3], $0x80, v3, vm0, $0xb8;
	[tilespmem:$0x18400] =	vst v63  }
0xd2: {  	s11 =	simm.s32 $0x13C00  }
0xd3: {  	[tilespmem:s11], [sflag:$0x3] =	stream.indirect_vreg.gather [hbm4b:s7+s3], $0x80, v3, vm0, $0xb8;
	[tilespmem:$0x18400] =	vst v63  }
0xd4: {  	v3 =	vld [tilespmem:$0x110];
	_ =	sdelay $0x4  }
0xd5: {  	v55 =	vshll.u32 v3, $0x3  }
0xd6: {  	v3 =	vand.u32 $0x7, v3;
	v4 =	vand.u32 $0xFFFFFFC0, v55  }
0xd7: {  	v3 =	vor.u32 v3, v4  }
0xd8: {  	v4 =	vperm.xlane v3, v0;
	_ =	sdelay $0x1  }
0xd9: {  	v4 =	vadd.s32 v1, v4;
	_ =	sdelay $0x3  }
0xda: {  	s11 =	simm.s32 $0x14400  }
0xdb: {  	[tilespmem:s11], [sflag:$0x3] =	stream.indirect_vreg.gather [hbm4b:s1+s3], $0x80, v4, vm0, $0xb8;
	[tilespmem:$0x18400] =	vst v63  }
0xdc: {  	v3 =	vperm.xlane v3, v2;
	s11 =	simm.s32 $0x14C00  }
0xdd: {  	[tilespmem:s11], [sflag:$0x3] =	stream.indirect_vreg.gather [hbm4b:s5+s3], $0x80, v4, vm0, $0xb8;
	[tilespmem:$0x18400] =	vst v63  }
0xde: {  	v3 =	vadd.s32 v1, v3;
	s11 =	simm.s32 $0x15400  }
0xdf: {  	[tilespmem:s11], [sflag:$0x3] =	stream.indirect_vreg.gather [hbm4b:s6+s3], $0x80, v4, vm0, $0xb8;
	[tilespmem:$0x18400] =	vst v63  }
0xe0: {  	s11 =	simm.s32 $0x15C00  }
0xe1: {  	[tilespmem:s11], [sflag:$0x3] =	stream.indirect_vreg.gather [hbm4b:s7+s3], $0x80, v4, vm0, $0xb8;
	[tilespmem:$0x18400] =	vst v63  }
0xe2: {  	s11 =	simm.s32 $0x16400  }
0xe3: {  	[tilespmem:s11], [sflag:$0x3] =	stream.indirect_vreg.gather [hbm4b:s1+s3], $0x80, v3, vm0, $0xb8;
	[tilespmem:$0x18400] =	vst v63  }
0xe4: {  	s11 =	simm.s32 $0x16C00  }
0xe5: {  	[tilespmem:s11], [sflag:$0x3] =	stream.indirect_vreg.gather [hbm4b:s5+s3], $0x80, v3, vm0, $0xb8;
	[tilespmem:$0x18400] =	vst v63  }
0xe6: {  	s11 =	simm.s32 $0x17400  }
0xe7: {  	[tilespmem:s11], [sflag:$0x3] =	stream.indirect_vreg.gather [hbm4b:s6+s3], $0x80, v3, vm0, $0xb8;
	[tilespmem:$0x18400] =	vst v63  }
0xe8: {  	s11 =	simm.s32 $0x17C00  }
0xe9: {  	[tilespmem:s11], [sflag:$0x3] =	stream.indirect_vreg.gather [hbm4b:s7+s3], $0x80, v3, vm0, $0xb8;
	[tilespmem:$0x18400] =	vst v63  }
0xea: {  	s11 =	simm.s32 $0x2  }
0xeb: {  	_ =	swait.ge [sflag:s11], $0x8000  }
0xec: {  	[sflag:s11] =	ssyncset.done $0x0  }
0xed: {  	[sflag:s11] =	ssyncadd.s32 $0xFFFF8000  }
0xee: {  	v3 =	vld [tilespmem:$0x280];
	_ =	sdelay $0x4  }
0xef: {  	v56 =	vshll.u32 v3, $0x3  }
0xf0: {  	v3 =	vand.u32 $0x7, v3;
	v4 =	vand.u32 $0xFFFFFFC0, v56  }
0xf1: {  	v3 =	vor.u32 v3, v4  }
0xf2: {  	v4 =	vperm.xlane v3, v0;
	_ =	sdelay $0x1  }
0xf3: {  	v4 =	vadd.s32 v1, v4;
	_ =	sdelay $0x4  }
0xf4: {  	[hbm4b:s4+s3] =	stream.indirect_vreg.scatter [tilespmem:s26], [sflag:$0x5], $0x80, v4, vm0, $0xb8;
	[tilespmem:$0x18400] =	vst v63  }
0xf5: {  	v3 =	vperm.xlane v3, v2  }
0xf6: {  	[hbm4b:s8+s3] =	stream.indirect_vreg.scatter [tilespmem:s31], [sflag:$0x5], $0x80, v4, vm0, $0xb8;
	[tilespmem:$0x18400] =	vst v63  }
0xf7: {  	v3 =	vadd.s32 v1, v3  }
0xf8: {  	[hbm4b:s9+s3] =	stream.indirect_vreg.scatter [tilespmem:s13], [sflag:$0x5], $0x80, v4, vm0, $0xb8;
	[tilespmem:$0x18400] =	vst v63  }
0xf9: {  	_ = 	snop  }
0xfa: {  	[hbm4b:s10+s3] =	stream.indirect_vreg.scatter [tilespmem:s2], [sflag:$0x5], $0x80, v4, vm0, $0xb8;
	[tilespmem:$0x18400] =	vst v63  }
0xfb: {  	_ = 	snop  }
0xfc: {  	[hbm4b:s4+s3] =	stream.indirect_vreg.scatter [tilespmem:s14], [sflag:$0x5], $0x80, v3, vm0, $0xb8;
	[tilespmem:$0x18400] =	vst v63  }
0xfd: {  	_ = 	snop  }
0xfe: {  	[hbm4b:s8+s3] =	stream.indirect_vreg.scatter [tilespmem:s15], [sflag:$0x5], $0x80, v3, vm0, $0xb8;
	[tilespmem:$0x18400] =	vst v63  }
0xff: {  	_ = 	snop  }
0x100: {  	[hbm4b:s9+s3] =	stream.indirect_vreg.scatter [tilespmem:s16], [sflag:$0x5], $0x80, v3, vm0, $0xb8;
	[tilespmem:$0x18400] =	vst v63  }
0x101: {  	_ = 	snop  }
0x102: {  	[hbm4b:s10+s3] =	stream.indirect_vreg.scatter [tilespmem:s17], [sflag:$0x5], $0x80, v3, vm0, $0xb8;
	[tilespmem:$0x18400] =	vst v63  }
0x103: {  	v3 =	vld [tilespmem:$0x290];
	_ =	sdelay $0x4  }
0x104: {  	v57 =	vshll.u32 v3, $0x3  }
0x105: {  	v3 =	vand.u32 $0x7, v3;
	v4 =	vand.u32 $0xFFFFFFC0, v57  }
0x106: {  	v3 =	vor.u32 v3, v4  }
0x107: {  	v4 =	vperm.xlane v3, v0;
	_ =	sdelay $0x1  }
0x108: {  	v4 =	vadd.s32 v1, v4;
	_ =	sdelay $0x4  }
0x109: {  	[hbm4b:s4+s3] =	stream.indirect_vreg.scatter [tilespmem:s18], [sflag:$0x5], $0x80, v4, vm0, $0xb8;
	[tilespmem:$0x18400] =	vst v63  }
0x10a: {  	v3 =	vperm.xlane v3, v2  }
0x10b: {  	[hbm4b:s8+s3] =	stream.indirect_vreg.scatter [tilespmem:s19], [sflag:$0x5], $0x80, v4, vm0, $0xb8;
	[tilespmem:$0x18400] =	vst v63  }
0x10c: {  	v3 =	vadd.s32 v1, v3  }
0x10d: {  	[hbm4b:s9+s3] =	stream.indirect_vreg.scatter [tilespmem:s20], [sflag:$0x5], $0x80, v4, vm0, $0xb8;
	[tilespmem:$0x18400] =	vst v63  }
0x10e: {  	_ = 	snop  }
0x10f: {  	[hbm4b:s10+s3] =	stream.indirect_vreg.scatter [tilespmem:s21], [sflag:$0x5], $0x80, v4, vm0, $0xb8;
	[tilespmem:$0x18400] =	vst v63  }
0x110: {  	_ = 	snop  }
0x111: {  	[hbm4b:s4+s3] =	stream.indirect_vreg.scatter [tilespmem:s22], [sflag:$0x5], $0x80, v3, vm0, $0xb8;
	[tilespmem:$0x18400] =	vst v63  }
0x112: {  	_ = 	snop  }
0x113: {  	[hbm4b:s8+s3] =	stream.indirect_vreg.scatter [tilespmem:s23], [sflag:$0x5], $0x80, v3, vm0, $0xb8;
	[tilespmem:$0x18400] =	vst v63  }
0x114: {  	_ = 	snop  }
0x115: {  	[hbm4b:s9+s3] =	stream.indirect_vreg.scatter [tilespmem:s24], [sflag:$0x5], $0x80, v3, vm0, $0xb8;
	[tilespmem:$0x18400] =	vst v63  }
0x116: {  	s2 =	simm.s32 $0x4  }
0x117: {  	[hbm4b:s10+s3] =	stream.indirect_vreg.scatter [tilespmem:s25], [sflag:$0x5], $0x80, v3, vm0, $0xb8;
	[tilespmem:$0x18400] =	vst v63  }
0x118: {  	_ =	swait.ge [sflag:s2], $0x8000  }
0x119: {  	[sflag:s2] =	ssyncset.done $0x0  }
0x11a: {  	[sflag:s2] =	ssyncadd.s32 $0xFFFF8000  }
0x11b: {  	v3 =	vld [tilespmem:$0x180];
	_ =	sdelay $0x4  }
0x11c: {  	v58 =	vshll.u32 v3, $0x3  }
0x11d: {  	v3 =	vand.u32 $0x7, v3;
	v4 =	vand.u32 $0xFFFFFFC0, v58  }
0x11e: {  	v3 =	vor.u32 v3, v4  }
0x11f: {  	v4 =	vperm.xlane v3, v0;
	_ =	sdelay $0x1  }
0x120: {  	v4 =	vadd.s32 v1, v4;
	_ =	sdelay $0x3  }
0x121: {  	s16 =	simm.s32 $0x400  }
0x122: {  	[tilespmem:s16], [sflag:$0x1] =	stream.indirect_vreg.gather [hbm4b:s1+s3], $0x80, v4, vm0, $0xb8;
	[tilespmem:$0x18400] =	vst v63  }
0x123: {  	s17 =	simm.s32 $0xC00;
	v3 =	vperm.xlane v3, v2  }
0x124: {  	[tilespmem:s17], [sflag:$0x1] =	stream.indirect_vreg.gather [hbm4b:s5+s3], $0x80, v4, vm0, $0xb8;
	[tilespmem:$0x18400] =	vst v63  }
0x125: {  	s18 =	simm.s32 $0x1400;
	v3 =	vadd.s32 v1, v3  }
0x126: {  	[tilespmem:s18], [sflag:$0x1] =	stream.indirect_vreg.gather [hbm4b:s6+s3], $0x80, v4, vm0, $0xb8;
	[tilespmem:$0x18400] =	vst v63  }
0x127: {  	s19 =	simm.s32 $0x1C00  }
0x128: {  	[tilespmem:s19], [sflag:$0x1] =	stream.indirect_vreg.gather [hbm4b:s7+s3], $0x80, v4, vm0, $0xb8;
	[tilespmem:$0x18400] =	vst v63  }
0x129: {  	s20 =	simm.s32 $0x2400  }
0x12a: {  	[tilespmem:s20], [sflag:$0x1] =	stream.indirect_vreg.gather [hbm4b:s1+s3], $0x80, v3, vm0, $0xb8;
	[tilespmem:$0x18400] =	vst v63  }
0x12b: {  	s21 =	simm.s32 $0x2C00  }
0x12c: {  	[tilespmem:s21], [sflag:$0x1] =	stream.indirect_vreg.gather [hbm4b:s5+s3], $0x80, v3, vm0, $0xb8;
	[tilespmem:$0x18400] =	vst v63  }
0x12d: {  	s22 =	simm.s32 $0x3400  }
0x12e: {  	[tilespmem:s22], [sflag:$0x1] =	stream.indirect_vreg.gather [hbm4b:s6+s3], $0x80, v3, vm0, $0xb8;
	[tilespmem:$0x18400] =	vst v63  }
0x12f: {  	s25 =	simm.s32 $0x3C00  }
0x130: {  	[tilespmem:s25], [sflag:$0x1] =	stream.indirect_vreg.gather [hbm4b:s7+s3], $0x80, v3, vm0, $0xb8;
	[tilespmem:$0x18400] =	vst v63  }
0x131: {  	v3 =	vld [tilespmem:$0x190];
	_ =	sdelay $0x4  }
0x132: {  	v59 =	vshll.u32 v3, $0x3  }
0x133: {  	v3 =	vand.u32 $0x7, v3;
	v4 =	vand.u32 $0xFFFFFFC0, v59  }
0x134: {  	v3 =	vor.u32 v3, v4  }
0x135: {  	v4 =	vperm.xlane v3, v0;
	_ =	sdelay $0x1  }
0x136: {  	v4 =	vadd.s32 v1, v4;
	_ =	sdelay $0x3  }
0x137: {  	s26 =	simm.s32 $0x4400  }
0x138: {  	[tilespmem:s26], [sflag:$0x1] =	stream.indirect_vreg.gather [hbm4b:s1+s3], $0x80, v4, vm0, $0xb8;
	[tilespmem:$0x18400] =	vst v63  }
0x139: {  	s31 =	simm.s32 $0x4C00;
	v3 =	vperm.xlane v3, v2  }
0x13a: {  	[tilespmem:s31], [sflag:$0x1] =	stream.indirect_vreg.gather [hbm4b:s5+s3], $0x80, v4, vm0, $0xb8;
	[tilespmem:$0x18400] =	vst v63  }
0x13b: {  	s18 =	simm.s32 $0x5400;
	v3 =	vadd.s32 v1, v3  }
0x13c: {  	[tilespmem:s18], [sflag:$0x1] =	stream.indirect_vreg.gather [hbm4b:s6+s3], $0x80, v4, vm0, $0xb8;
	[tilespmem:$0x18400] =	vst v63  }
0x13d: {  	s19 =	simm.s32 $0x5C00  }
0x13e: {  	[tilespmem:s19], [sflag:$0x1] =	stream.indirect_vreg.gather [hbm4b:s7+s3], $0x80, v4, vm0, $0xb8;
	[tilespmem:$0x18400] =	vst v63  }
0x13f: {  	s20 =	simm.s32 $0x6400  }
0x140: {  	[tilespmem:s20], [sflag:$0x1] =	stream.indirect_vreg.gather [hbm4b:s1+s3], $0x80, v3, vm0, $0xb8;
	[tilespmem:$0x18400] =	vst v63  }
0x141: {  	s21 =	simm.s32 $0x6C00  }
0x142: {  	[tilespmem:s21], [sflag:$0x1] =	stream.indirect_vreg.gather [hbm4b:s5+s3], $0x80, v3, vm0, $0xb8;
	[tilespmem:$0x18400] =	vst v63  }
0x143: {  	s22 =	simm.s32 $0x7400  }
0x144: {  	[tilespmem:s22], [sflag:$0x1] =	stream.indirect_vreg.gather [hbm4b:s6+s3], $0x80, v3, vm0, $0xb8;
	[tilespmem:$0x18400] =	vst v63  }
0x145: {  	s11 =	simm.s32 $0x7C00  }
0x146: {  	[tilespmem:s11], [sflag:$0x1] =	stream.indirect_vreg.gather [hbm4b:s7+s3], $0x80, v3, vm0, $0xb8;
	[tilespmem:$0x18400] =	vst v63  }
0x147: {  	s11 =	simm.s32 $0x3  }
0x148: {  	_ =	swait.ge [sflag:s11], $0x8000  }
0x149: {  	[sflag:s11] =	ssyncset.done $0x0  }
0x14a: {  	[sflag:s11] =	ssyncadd.s32 $0xFFFF8000  }
0x14b: {  	v3 =	vld [tilespmem:$0x300];
	_ =	sdelay $0x4  }
0x14c: {  	v60 =	vshll.u32 v3, $0x3  }
0x14d: {  	v3 =	vand.u32 $0x7, v3;
	v4 =	vand.u32 $0xFFFFFFC0, v60  }
0x14e: {  	v3 =	vor.u32 v3, v4  }
0x14f: {  	v4 =	vperm.xlane v3, v0;
	_ =	sdelay $0x1  }
0x150: {  	v4 =	vadd.s32 v1, v4;
	_ =	sdelay $0x3  }
0x151: {  	s11 =	simm.s32 $0x10400  }
0x152: {  	[hbm4b:s4+s3] =	stream.indirect_vreg.scatter [tilespmem:s11], [sflag:$0x6], $0x80, v4, vm0, $0xb8;
	[tilespmem:$0x18400] =	vst v63  }
0x153: {  	v3 =	vperm.xlane v3, v2  }
0x154: {  	[hbm4b:s8+s3] =	stream.indirect_vreg.scatter [tilespmem:s29], [sflag:$0x6], $0x80, v4, vm0, $0xb8;
	[tilespmem:$0x18400] =	vst v63  }
0x155: {  	v3 =	vadd.s32 v1, v3  }
0x156: {  	[hbm4b:s9+s3] =	stream.indirect_vreg.scatter [tilespmem:s30], [sflag:$0x6], $0x80, v4, vm0, $0xb8;
	[tilespmem:$0x18400] =	vst v63  }
0x157: {  	s30 =	simm.s32 $0x11C00  }
0x158: {  	[hbm4b:s10+s3] =	stream.indirect_vreg.scatter [tilespmem:s30], [sflag:$0x6], $0x80, v4, vm0, $0xb8;
	[tilespmem:$0x18400] =	vst v63  }
0x159: {  	s29 =	simm.s32 $0x12400  }
0x15a: {  	[hbm4b:s4+s3] =	stream.indirect_vreg.scatter [tilespmem:s29], [sflag:$0x6], $0x80, v3, vm0, $0xb8;
	[tilespmem:$0x18400] =	vst v63  }
0x15b: {  	s30 =	simm.s32 $0x12C00  }
0x15c: {  	[hbm4b:s8+s3] =	stream.indirect_vreg.scatter [tilespmem:s30], [sflag:$0x6], $0x80, v3, vm0, $0xb8;
	[tilespmem:$0x18400] =	vst v63  }
0x15d: {  	s29 =	simm.s32 $0x13400  }
0x15e: {  	[hbm4b:s9+s3] =	stream.indirect_vreg.scatter [tilespmem:s29], [sflag:$0x6], $0x80, v3, vm0, $0xb8;
	[tilespmem:$0x18400] =	vst v63  }
0x15f: {  	s30 =	simm.s32 $0x13C00  }
0x160: {  	[hbm4b:s10+s3] =	stream.indirect_vreg.scatter [tilespmem:s30], [sflag:$0x6], $0x80, v3, vm0, $0xb8;
	[tilespmem:$0x18400] =	vst v63  }
0x161: {  	v3 =	vld [tilespmem:$0x310];
	_ =	sdelay $0x4  }
0x162: {  	v61 =	vshll.u32 v3, $0x3  }
0x163: {  	v3 =	vand.u32 $0x7, v3;
	v4 =	vand.u32 $0xFFFFFFC0, v61  }
0x164: {  	v3 =	vor.u32 v3, v4  }
0x165: {  	v4 =	vperm.xlane v3, v0;
	_ =	sdelay $0x1  }
0x166: {  	v4 =	vadd.s32 v1, v4;
	_ =	sdelay $0x3  }
0x167: {  	s29 =	simm.s32 $0x14400  }
0x168: {  	[hbm4b:s4+s3] =	stream.indirect_vreg.scatter [tilespmem:s29], [sflag:$0x6], $0x80, v4, vm0, $0xb8;
	[tilespmem:$0x18400] =	vst v63  }
0x169: {  	s30 =	simm.s32 $0x14C00;
	v3 =	vperm.xlane v3, v2  }
0x16a: {  	[hbm4b:s8+s3] =	stream.indirect_vreg.scatter [tilespmem:s30], [sflag:$0x6], $0x80, v4, vm0, $0xb8;
	[tilespmem:$0x18400] =	vst v63  }
0x16b: {  	v3 =	vadd.s32 v1, v3;
	s29 =	simm.s32 $0x15400  }
0x16c: {  	[hbm4b:s9+s3] =	stream.indirect_vreg.scatter [tilespmem:s29], [sflag:$0x6], $0x80, v4, vm0, $0xb8;
	[tilespmem:$0x18400] =	vst v63  }
0x16d: {  	s30 =	simm.s32 $0x15C00  }
0x16e: {  	[hbm4b:s10+s3] =	stream.indirect_vreg.scatter [tilespmem:s30], [sflag:$0x6], $0x80, v4, vm0, $0xb8;
	[tilespmem:$0x18400] =	vst v63  }
0x16f: {  	s29 =	simm.s32 $0x16400  }
0x170: {  	[hbm4b:s4+s3] =	stream.indirect_vreg.scatter [tilespmem:s29], [sflag:$0x6], $0x80, v3, vm0, $0xb8;
	[tilespmem:$0x18400] =	vst v63  }
0x171: {  	s30 =	simm.s32 $0x16C00  }
0x172: {  	[hbm4b:s8+s3] =	stream.indirect_vreg.scatter [tilespmem:s30], [sflag:$0x6], $0x80, v3, vm0, $0xb8;
	[tilespmem:$0x18400] =	vst v63  }
0x173: {  	s29 =	simm.s32 $0x17400  }
0x174: {  	[hbm4b:s9+s3] =	stream.indirect_vreg.scatter [tilespmem:s29], [sflag:$0x6], $0x80, v3, vm0, $0xb8;
	[tilespmem:$0x18400] =	vst v63  }
0x175: {  	s30 =	simm.s32 $0x17C00  }
0x176: {  	[hbm4b:s10+s3] =	stream.indirect_vreg.scatter [tilespmem:s30], [sflag:$0x6], $0x80, v3, vm0, $0xb8;
	[tilespmem:$0x18400] =	vst v63  }
0x177: {  	_ =	swait.ge [sflag:s0], $0x8000  }
0x178: {  	[sflag:s0] =	ssyncset.done $0x0  }
0x179: {  	[sflag:s0] =	ssyncadd.s32 $0xFFFF8000  }
0x17a: {  	v3 =	vld [tilespmem:$0x380];
	_ =	sdelay $0x4  }
0x17b: {  	v62 =	vshll.u32 v3, $0x3  }
0x17c: {  	v3 =	vand.u32 $0x7, v3;
	v4 =	vand.u32 $0xFFFFFFC0, v62  }
0x17d: {  	v3 =	vor.u32 v3, v4  }
0x17e: {  	v4 =	vperm.xlane v3, v0;
	_ =	sdelay $0x1  }
0x17f: {  	v4 =	vadd.s32 v1, v4;
	_ =	sdelay $0x3  }
0x180: {  	s23 =	simm.s32 $0x400  }
0x181: {  	[hbm4b:s4+s3] =	stream.indirect_vreg.scatter [tilespmem:s23], [sflag:$0x4], $0x80, v4, vm0, $0xb8;
	[tilespmem:$0x18400] =	vst v63  }
0x182: {  	s24 =	simm.s32 $0xC00;
	v3 =	vperm.xlane v3, v2  }
0x183: {  	[hbm4b:s8+s3] =	stream.indirect_vreg.scatter [tilespmem:s24], [sflag:$0x4], $0x80, v4, vm0, $0xb8;
	[tilespmem:$0x18400] =	vst v63  }
0x184: {  	s13 =	simm.s32 $0x1400;
	v3 =	vadd.s32 v1, v3  }
0x185: {  	[hbm4b:s9+s3] =	stream.indirect_vreg.scatter [tilespmem:s13], [sflag:$0x4], $0x80, v4, vm0, $0xb8;
	[tilespmem:$0x18400] =	vst v63  }
0x186: {  	s14 =	simm.s32 $0x1C00  }
0x187: {  	[hbm4b:s10+s3] =	stream.indirect_vreg.scatter [tilespmem:s14], [sflag:$0x4], $0x80, v4, vm0, $0xb8;
	[tilespmem:$0x18400] =	vst v63  }
0x188: {  	s15 =	simm.s32 $0x2400  }
0x189: {  	[hbm4b:s4+s3] =	stream.indirect_vreg.scatter [tilespmem:s15], [sflag:$0x4], $0x80, v3, vm0, $0xb8;
	[tilespmem:$0x18400] =	vst v63  }
0x18a: {  	s16 =	simm.s32 $0x2C00  }
0x18b: {  	[hbm4b:s8+s3] =	stream.indirect_vreg.scatter [tilespmem:s16], [sflag:$0x4], $0x80, v3, vm0, $0xb8;
	[tilespmem:$0x18400] =	vst v63  }
0x18c: {  	s17 =	simm.s32 $0x3400  }
0x18d: {  	[hbm4b:s9+s3] =	stream.indirect_vreg.scatter [tilespmem:s17], [sflag:$0x4], $0x80, v3, vm0, $0xb8;
	[tilespmem:$0x18400] =	vst v63  }
0x18e: {  	s25 =	simm.s32 $0x3C00  }
0x18f: {  	[hbm4b:s10+s3] =	stream.indirect_vreg.scatter [tilespmem:s25], [sflag:$0x4], $0x80, v3, vm0, $0xb8;
	[tilespmem:$0x18400] =	vst v63  }
0x190: {  	v3 =	vld [tilespmem:$0x390];
	_ =	sdelay $0x4  }
0x191: {  	v63 =	vshll.u32 v3, $0x3  }
0x192: {  	v3 =	vand.u32 $0x7, v3;
	v4 =	vand.u32 $0xFFFFFFC0, v63  }
0x193: {  	v3 =	vor.u32 v3, v4  }
0x194: {  	v4 =	vperm.xlane v3, v0;
	_ =	sdelay $0x1  }
0x195: {  	v4 =	vadd.s32 v1, v4;
	_ =	sdelay $0x3  }
0x196: {  	s26 =	simm.s32 $0x4400  }
0x197: {  	[hbm4b:s4+s3] =	stream.indirect_vreg.scatter [tilespmem:s26], [sflag:$0x4], $0x80, v4, vm0, $0xb8;
	[tilespmem:$0x18400] =	vst v63  }
0x198: {  	s31 =	simm.s32 $0x4C00;
	v3 =	vperm.xlane v3, v2  }
0x199: {  	[hbm4b:s8+s3] =	stream.indirect_vreg.scatter [tilespmem:s31], [sflag:$0x4], $0x80, v4, vm0, $0xb8;
	[tilespmem:$0x18400] =	vst v63  }
0x19a: {  	s18 =	simm.s32 $0x5400;
	v3 =	vadd.s32 v1, v3  }
0x19b: {  	[hbm4b:s9+s3] =	stream.indirect_vreg.scatter [tilespmem:s18], [sflag:$0x4], $0x80, v4, vm0, $0xb8;
	[tilespmem:$0x18400] =	vst v63  }
0x19c: {  	s19 =	simm.s32 $0x5C00  }
0x19d: {  	[hbm4b:s10+s3] =	stream.indirect_vreg.scatter [tilespmem:s19], [sflag:$0x4], $0x80, v4, vm0, $0xb8;
	[tilespmem:$0x18400] =	vst v63  }
0x19e: {  	s20 =	simm.s32 $0x6400  }
0x19f: {  	[hbm4b:s4+s3] =	stream.indirect_vreg.scatter [tilespmem:s20], [sflag:$0x4], $0x80, v3, vm0, $0xb8;
	[tilespmem:$0x18400] =	vst v63  }
0x1a0: {  	s21 =	simm.s32 $0x6C00  }
0x1a1: {  	[hbm4b:s8+s3] =	stream.indirect_vreg.scatter [tilespmem:s21], [sflag:$0x4], $0x80, v3, vm0, $0xb8;
	[tilespmem:$0x18400] =	vst v63  }
0x1a2: {  	s22 =	simm.s32 $0x7400  }
0x1a3: {  	[hbm4b:s9+s3] =	stream.indirect_vreg.scatter [tilespmem:s22], [sflag:$0x4], $0x80, v3, vm0, $0xb8;
	[tilespmem:$0x18400] =	vst v63  }
0x1a4: {  	s29 =	simm.s32 $0x7C00;
	s30 =	simm.s32 $0x5  }
0x1a5: {  	[hbm4b:s10+s3] =	stream.indirect_vreg.scatter [tilespmem:s29], [sflag:$0x4], $0x80, v3, vm0, $0xb8;
	[tilespmem:$0x18400] =	vst v63  }
0x1a6: {  	_ =	swait.ge [sflag:s30], $0x8000  }
0x1a7: {  	[sflag:s30] =	ssyncset.done $0x0  }
0x1a8: {  	s31 =	simm.s32 $0x6;
	[sflag:s30] =	ssyncadd.s32 $0xFFFF8000  }
0x1a9: {  	p0 =	sne.s32 s28, $0x1;
	_ =	swait.ge [sflag:s31], $0x8000  }
.Ltmp0:
0x1aa: {  	[sflag:s31] =	ssyncset.done $0x0;
	(pc) =	sbr.rel @p0 .LBB2_1-.Ltmp0, $4  }
0x1ab: {  	[sflag:s31] =	ssyncadd.s32 $0xFFFF8000  }
0x1ac: {  	_ =	swait.ge [sflag:s2], $0x8000  }
0x1ad: {  	[sflag:s2] =	ssyncset.done $0x0  }
0x1ae: {  	s28 =	sadd.s32 $0xFFFFFFFF, s28;
	[sflag:s2] =	ssyncadd.s32 $0xFFFF8000  }
0x1af: {  	_ =	sfence.sel $0x180000  }
0x1b0: {  	[bflag:$0x0] =	sbarrier.arrive $0xFFFF  }
0x1b1: {  	_ =	strace $0x90000047  }
0x1b2: {  	s0 =	stileid.u32;
	[bflag:$0x2] =	sbarrier.arrive $0xFFFF  }
0x1b3: {  	p0 =	sne.s32 s0, $0x0;
	s0 =	rddreg [dreg:$0x3]  }
0x1b4: {  	s0 =	sadd.s32 @!p0 $0x100000, s0  }
0x1b5: {  	[sflag:s0] =	ssyncadd.tile.s32 @!p0 $0x1;
	_ =	shalt  }
.Lfunc_end2:
_tile_overlayer_lowered:
.L_overlay_start_2:
0x1b6: {  	(tag) =	ssettag $0x2  }
0x1b7: {  	s0 =	rddreg [dreg:$0x0];
	s2 =	stileid.u32  }
0x1b8: {  	s1 =	rddreg [dreg:$0x1];
	p0 =	sne.s32 s2, $0x0  }
0x1b9: {  	s3 =	rddreg [dreg:$0x2];
	[bflag:$0x3] =	sbarrier.arrive $0xFFFF;
	s2 =	simm.s32 @!p0 $0x1C07  }
0x1ba: {  	[timem:s3], [sflag:s2] =	dma.local @!p0 [hbm:s0], s1  }
0x1bb: {  	s0 =	simm.s32 @!p0 $0x7  }
0x1bc: {  	_ =	swait.ge @!p0 [sflag:s0], s1  }
0x1bd: {  	s1 =	ssub.s32 @!p0 $0x0, s1;
	[sflag:s0] =	ssyncset.done @!p0 $0x0  }
0x1be: {  	[sflag:s0] =	ssyncadd.s32 @!p0 s1  }
0x1bf: {  	[bflag:$0x3] =	sbarrier.arrive $0xFFFF  }
0x1c0: {  	_ =	shalt  }

// kernel: kernel.9.cloned.1.call-start
scs
__scs_entry_jumppad:
0x0: {  	(pc) =	sbr.rel $0x88, $3  }
0x1: {  	(tag) =	ssettag $0x0;
	lr =	simm.s32 $0x1  }
0x2: {  	[smem:$0x3F9C] =	sst lr;
	_ =	strace $0xD0000000  }
0x3: {  	_ = 	snop  }
0x4: {  	_ = 	snop  }
0x5: {  	_ = 	snop  }
0x6: {  	_ = 	snop  }
0x7: {  	_ = 	snop  }
__scs_overlays_trampoline_lowered:
0x8: {  	[smem:$0x3FAB] =	sst s0  }
0x9: {  	[smem:$0x3FAC] =	sst s1  }
0xa: {  	[smem:$0x3FAD] =	sst s2  }
0xb: {  	[smem:$0x3FAE] =	sst s3  }
0xc: {  	[smem:$0x3FAF] =	sst s4  }
0xd: {  	[smem:$0x3FB0] =	sst s5  }
0xe: {  	[smem:$0x3FB1] =	sst s6  }
0xf: {  	[smem:$0x3FB2] =	sst s7  }
0x10: {  	[smem:$0x3FB3] =	sst s8  }
0x11: {  	[smem:$0x3FB4] =	sst s9;
	s0 =	simm.s32 @!p0 $0x0  }
0x12: {  	s1 =	sld [smem:$0x3F9A];
	s0 =	simm.s32 @p0 $0x1  }
0x13: {  	[smem:$0x3FB5] =	sst s0;
	s0 =	simm.s32 @!p1 $0x0  }
0x14: {  	s2 =	sld [smem:$0x3F99];
	s0 =	simm.s32 @p1 $0x1  }
0x15: {  	[smem:$0x3FB6] =	sst s0;
	s0 =	simm.s32 @!p2 $0x0  }
0x16: {  	s3 =	sld [smem:$0x3FDB];
	s0 =	simm.s32 @p2 $0x1  }
0x17: {  	s4 =	simm.s32 $0x1BF5;
	[smem:$0x3FB8] =	sst s0  }
0x18: {  	s0 =	sld [smem:$0x3F9B];
	_ =	swait.ge [sflag:s4], $0x0  }
0x19: {  	s7 =	sld [smem:$0x3F9C]  }
0x1a: {  	s8 =	sadd.s32 $0xFFFFE003, lr  }
0x1b: {  	s9 =	sadd.s32 $0xFFFFFEF7, lr;
	s5 =	simm.s32 $0xFFFFFFFF;
	p2 =	slt.u32 s8, $0xFFFFF086  }
0x1c: {  	p1 =	slt.u32 s9, $0xF7A;
	s5 =	simm.s32 @!p2 $0x0  }
0x1d: {  	s5 =	simm.s32 @p1 $0x1;
	p0 =	seq.s32 s7, s2  }
0x1e: {  	s7 =	smul.u32 @!p0 $0xF7A, s2;
	p2 =	seq.s32 @!p0 s5, $0x0  }
0x1f: {  	s9 =	smul.u32 $0xF7A, s1;
	s8 =	simm.s32 @!p0 $0x1BF5;
	p2 =	por !p2, p0  }
0x20: {  	[sflag:s8] =	ssyncset.s32 @!p0 $0xFFFFF086;
	s6 =	sadd.s32 @!p0 s3, s7;
	s7 =	simm.s32 @!p0 $0x108  }
0x21: {  	s3 =	sadd.s32 s3, s9;
	s6 =	sadd.s32 @!p0 $0x88, s6;
	s7 =	simm.s32 @p2 $0x1082  }
0x22: {  	[simem:s7], [sflag:s8] =	dma.local @!p0 [hbm:s6], $0xF7A  }
0x23: {  	s9 =	sor.u32 $0xD0000000, s2;
	s6 =	simm.s32 $0x108;
	_ =	swait.ge @!p0 [sflag:s8], $0x0  }
0x24: {  	s3 =	sadd.s32 $0x88, s3;
	s6 =	simm.s32 @!p1 $0x1082;
	[sflag:s4] =	ssyncset.s32 $0xFFFFF086  }
0x25: {  	[simem:s6], [sflag:s4] =	dma.local [hbm:s3], $0xF7A  }
0x26: {  	[smem:$0x3F9C] =	sst s1;
	(tag) =	ssettag s2;
	_ =	strace s9  }
0x27: {  	s1 =	sld [smem:$0x3FAC]  }
0x28: {  	s2 =	sld [smem:$0x3FAD]  }
0x29: {  	s4 =	sld [smem:$0x3FAF]  }
0x2a: {  	p0 =	seq.s32 s5, $0x0;
	s5 =	sld [smem:$0x3FB0]  }
0x2b: {  	s6 =	sld [smem:$0x3FB1]  }
0x2c: {  	s7 =	sld [smem:$0x3FB2]  }
0x2d: {  	s3 =	simm.s32 $0x108;
	s8 =	sld [smem:$0x3FB3]  }
0x2e: {  	s3 =	simm.s32 @!p0 $0x1082;
	s9 =	sld [smem:$0x3FB4]  }
0x2f: {  	lr =	sadd.s32 s0, s3;
	s0 =	sld [smem:$0x3FAB]  }
0x30: {  	s3 =	sld [smem:$0x3FAE]  }
0x31: {  	[smem:$0x3FB7] =	sst s10  }
0x32: {  	s10 =	sld [smem:$0x3FB5];
	_ =	sdelay $0x3  }
0x33: {  	p0 =	seq.s32 s10, $0x1;
	s10 =	sld [smem:$0x3FB7];
	_ =	sdelay $0x3  }
0x34: {  	[smem:$0x3FB7] =	sst s10  }
0x35: {  	s10 =	sld [smem:$0x3FB6];
	_ =	sdelay $0x3  }
0x36: {  	p1 =	seq.s32 s10, $0x1;
	s10 =	sld [smem:$0x3FB7];
	_ =	sdelay $0x3  }
0x37: {  	[smem:$0x3FB7] =	sst s10  }
0x38: {  	s10 =	sld [smem:$0x3FB8]  }
0x39: {  	_ = 	snop;
	(pc) =	sbr.ind lr, $3  }
0x3a: {  	_ = 	snop  }
0x3b: {  	_ = 	snop  }
0x3c: {  	p2 =	seq.s32 s10, $0x1;
	s10 =	sld [smem:$0x3FB7]  }
0x3d: {  	_ =	shalt  }
0x3e: {  	_ =	shalt  }
0x3f: {  	_ =	shalt  }
0x40: {  	_ =	shalt  }
0x41: {  	_ =	shalt  }
0x42: {  	_ =	shalt  }
0x43: {  	_ =	shalt  }
0x44: {  	_ =	shalt  }
0x45: {  	_ =	shalt  }
0x46: {  	_ =	shalt  }
0x47: {  	_ =	shalt  }
0x48: {  	_ =	shalt  }
0x49: {  	_ =	shalt  }
0x4a: {  	_ =	shalt  }
0x4b: {  	_ =	shalt  }
0x4c: {  	_ =	shalt  }
0x4d: {  	_ =	shalt  }
0x4e: {  	_ =	shalt  }
0x4f: {  	_ =	shalt  }
0x50: {  	_ =	shalt  }
0x51: {  	_ =	shalt  }
0x52: {  	_ =	shalt  }
0x53: {  	_ =	shalt  }
0x54: {  	_ =	shalt  }
0x55: {  	_ =	shalt  }
0x56: {  	_ =	shalt  }
0x57: {  	_ =	shalt  }
0x58: {  	_ =	shalt  }
0x59: {  	_ =	shalt  }
0x5a: {  	_ =	shalt  }
0x5b: {  	_ =	shalt  }
0x5c: {  	_ =	shalt  }
0x5d: {  	_ =	shalt  }
0x5e: {  	_ =	shalt  }
0x5f: {  	_ =	shalt  }
0x60: {  	_ =	shalt  }
0x61: {  	_ =	shalt  }
0x62: {  	_ =	shalt  }
0x63: {  	_ =	shalt  }
0x64: {  	_ =	shalt  }
0x65: {  	_ =	shalt  }
0x66: {  	_ =	shalt  }
0x67: {  	_ =	shalt  }
0x68: {  	_ =	shalt  }
0x69: {  	_ =	shalt  }
0x6a: {  	_ =	shalt  }
0x6b: {  	_ =	shalt  }
0x6c: {  	_ =	shalt  }
0x6d: {  	_ =	shalt  }
0x6e: {  	_ =	shalt  }
0x6f: {  	_ =	shalt  }
0x70: {  	_ =	shalt  }
0x71: {  	_ =	shalt  }
0x72: {  	_ =	shalt  }
0x73: {  	_ =	shalt  }
0x74: {  	_ =	shalt  }
0x75: {  	_ =	shalt  }
0x76: {  	_ =	shalt  }
0x77: {  	_ =	shalt  }
0x78: {  	_ =	shalt  }
0x79: {  	_ =	shalt  }
0x7a: {  	_ =	shalt  }
0x7b: {  	_ =	shalt  }
0x7c: {  	_ =	shalt  }
0x7d: {  	_ =	shalt  }
0x7e: {  	_ =	shalt  }
0x7f: {  	_ =	shalt  }
0x80: {  	_ =	shalt  }
0x81: {  	_ =	shalt  }
0x82: {  	_ =	shalt  }
0x83: {  	_ =	shalt  }
0x84: {  	_ =	shalt  }
0x85: {  	_ =	shalt  }
0x86: {  	_ =	shalt  }
0x87: {  	_ =	shalt  }
.Lfunc_end0:
.L_simem_size_0:
called_computation.1_lowered:
.L_overlay_start_0:
0x88: {  	s2 =	sld [smem:$0x3FD9]  }
0x89: {  	s3 =	sld [smem:$0x3FFE];
	_ =	sdelay $0x1  }
0x8a: {  	s1 =	srdreg.scid  }
0x8b: {  	s0 =	sand.u32 $0x1, s1  }
0x8c: {  	s17 =	sshll.u32 s0, $0xA;
	s2 =	sadd.s32 s3, s2  }
0x8d: {  	s2 =	sadd.s32 s2, s17  }
0x8e: {  	[smem:$0x3FC3] =	sst s2  }
0x8f: {  	_ = 	snop  }
0x90: {  	s2 =	sld [smem:$0x3FD0];
	(tm) =	ssettm $0x1  }
0x91: {  	s18 =	sld [smem:$0x3FFB];
	_ =	sdelay $0x3  }
0x92: {  	_ =	strace s18  }
0x93: {  	s3 =	sld [smem:$0x3FFC];
	_ =	sdelay $0x3  }
0x94: {  	_ =	strace s3  }
0x95: {  	s3 =	sld [smem:$0x3FFD];
	_ =	sdelay $0x3  }
0x96: {  	_ =	strace s3  }
0x97: {  	_ =	strace $0x8FFFFFFF  }
0x98: {  	s19 =	sld [smem:$0x3FDB];
	_ =	sdelay $0x1  }
0x99: {  	s4 =	simm.s32 $_scs_section_size  }
0x9a: {  	s5 =	simm.s32 $_size__tile_overlayer_lowered;
	s6 =	simm.s32 $_tile_overlayer_lowered  }
0x9b: {  	s22 =	simm.s32 $0x1BFF;
	s21 =	sshll.u32 s6, $0x1;
	s3 =	sadd.s32 s4, s19  }
0x9c: {  	s7 =	simm.s32 $0x0;
	s20 =	sshll.u32 s5, $0x1;
	s5 =	sadd.s32 s21, s3  }
0x9d: {  	[timem:s7], [sflag:s22] =	dma.local [hbm:s5], s20  }
0x9e: {  	_ =	swait.ge [sflag:s22], s20  }
0x9f: {  	s4 =	ssub.s32 $0x0, s20;
	[sflag:s22] =	ssyncset.done $0x0  }
0xa0: {  	[sflag:s22] =	ssyncadd.s32 s4;
	_ =	sdelay $0x1  }
0xa1: {  	s23 =	simm.s32 $0x1B8B  }
0xa2: {  	_ =	swait.ge [sflag:s23], $0x1  }
0xa3: {  	[sflag:s23] =	ssyncset.done $0x0  }
0xa4: {  	s25 =	simm.s32 $0x1B8E;
	s24 =	sld [smem:$0x3FFE];
	[sflag:s23] =	ssyncadd.s32 $0xFFFFFFFF  }
0xa5: {  	s26 =	simm.s32 $execute0_lowered;
	[smem:$0x3FD2] =	sst s25  }
0xa6: {  	s5 =	sshll.u32 s26, $0x1;
	_ =	strace $0x80000049;
	[dreg:$0x1] =	wrdreg $0xFFFFFFFF  }
0xa7: {  	s28 =	simm.s32 $_size_execute0_lowered;
	s3 =	sadd.s32 s3, s5;
	[dreg:$0x0] =	wrdreg $0x0  }
0xa8: {  	s5 =	sshll.u32 s28, $0x1;
	[dreg:$0x2] =	wrdreg s3  }
0xa9: {  	[dreg:$0x3] =	wrdreg s5  }
0xaa: {  	[dreg:$0x4] =	wrdreg $0xC0  }
0xab: {  	_ =	task [dreg:s7], $0x5FFFF  }
0xac: {  	[dreg:$0x1] =	wrdreg $0xFFFFFFFF  }
0xad: {  	[dreg:$0x0] =	wrdreg $0x60  }
0xae: {  	[dreg:$0x2] =	wrdreg s24  }
0xaf: {  	[dreg:$0x3] =	wrdreg s2  }
0xb0: {  	[dreg:$0x4] =	wrdreg $0x9  }
0xb1: {  	_ =	task.clear_ibuf [dreg:s7], $0x5FFFF;
	_ =	strace $0x90000049  }
0xb2: {  	s29 =	simm.s32 $0x9;
	_ =	strace $0x8000004B  }
0xb3: {  	_ =	swait.ge [sflag:s29], $0x1  }
0xb4: {  	[sflag:s29] =	ssyncadd.s32 $0xFFFFFFFF  }
0xb5: {  	_ =	strace $0x9000004B  }
0xb6: {  	_ =	sfence  }
0xb7: {  	s30 =	sld [smem:$0x0];
	_ =	sdelay $0x2  }
0xb8: {  	s31 =	sshll.u32 s1, $0xD;
	s1 =	sshrl.u32 s1, $0x2  }
0xb9: {  	s3 =	sand.u32 $0x4000, s31;
	s1 =	sadd.s32 s1, s30  }
0xba: {  	s0 =	sor.u32 s3, s0;
	s1 =	sshll.u32 s1, $0x11  }
0xbb: {  	s0 =	sor.u32 s1, s0  }
0xbc: {  	s0 =	sadd.s32 $0x8F2B, s0  }
0xbd: {  	[sflag:s0] =	ssyncadd.remote.s32 $0x1  }
0xbe: {  	_ =	sfence.sel $0xFFFF  }
0xbf: {  	[dreg:$0x0] =	wrdreg $0xFFFFFFFF;
	(pc) =	sbr.abs _section_cstart, $3  }
0xc0: {  	[dreg:$0x1] =	wrdreg $0xFFFFFFFF  }
0xc1: {  	_ =	task.clear_ibuf [dreg:s7], $0x2FFFF;
	_ =	strace $0x9FFFFFFF  }
0xc2: {  	(tm) =	ssettm $0x7FFFFFFF  }
0xc3: {  	_ =	shalt  }
tec
execute0_lowered:
.L_overlay_start_1:
0x0: {  	(tag) =	ssettag $0x1  }
0x1: {  	s4 =	rddreg [dreg:$0x0];
	s0 =	simm.s32 $0x0  }
0x2: {  	s30 =	srdreg.scid;
	s3 =	stileid.u32;
	s11 =	simm.s32 $0x2  }
0x3: {  	s10 =	simm.s32 $0xA880;
	s12 =	simm.s32 $0xC880;
	s13 =	simm.s32 $0xD080  }
0x4: {  	s14 =	simm.s32 $0xD880;
	s15 =	simm.s32 $0xE080;
	s16 =	simm.s32 $0xE880  }
0x5: {  	s17 =	simm.s32 $0xF080;
	s18 =	simm.s32 $0xF880;
	s19 =	simm.s32 $0x1  }
0x6: {  	s20 =	simm.s32 $0x10080;
	s22 =	simm.s32 $0x0;
	[smem:$0x7FF] =	sst s0  }
0x7: {  	s0 =	sand.u32 $0x1, s30;
	s5 =	sadd.s32 $0x180200, s4;
	s3 =	sshll.u32 s3, $0x7  }
0x8: {  	s7 =	sadd.s32 $0x180300, s4;
	s8 =	sadd.s32 $0x180400, s4;
	s1 =	ssub.s32 $0x2, s0  }
0x9: {  	s9 =	sadd.s32 $0x180500, s4;
	s4 =	simm.s32 $0x0;
	s2 =	sshrl.u32 s1, $0x1  }
0xa: {  	v2 =	vlaneseq.u32;
	_ =	strace $0x8000004A;
	s0 =	sshll.u32 s0, $0x6;
	s1 =	ssub.s32 s1, s2  }
0xb: {  	vm0 =	vmmov $0xffff;
	v1 =	vshrl.u32 v2, $0x3;
	s6 =	sor.u32 s0, s3;
	s3 =	simm.s32 $0xC080;
	s31 =	smax.u32 s1, $0x1  }
0xc: {  	v0 =	vand.u32 $0x7, v2;
	v2 =	vor.u32 $0x8, v2;
	v1 =	vmul.u32 $0x8, v1;
	s2 =	simm.s32 $0xB880;
	s1 =	simm.s32 $0xB080;
	[dreg:$0x3] =	wrdreg s31  }
.LBB2_1:
0xd: {  	[dreg:$0x4] =	wrdreg s4;
	p0 =	por $0x1, $0x1;
	s0 =	simm.s32 $0x0  }
.LBB2_2:
0xe: {  	s21 =	sor.u32 s6, s0  }
0xf: {  	s4 =	rddreg [dreg:$0x0];
	s0 =	sshrl.u32 s21, $0x2  }
0x10: {  	s0 =	sadd.s32 s4, s0  }
0x11: {  	[tilespmem:s22], [sflag:$0x2] =	stream.linear.gather [hbm4b:s0+s22], $0x40, $0x38;
	[tilespmem:$0x18080] =	vst v63  }
0x12: {  	_ =	swait.ge [sflag:s11], $0x40  }
0x13: {  	[sflag:s11] =	ssyncset.done $0x0  }
0x14: {  	[sflag:s11] =	ssyncadd.s32 $0xFFFFFFC0  }
0x15: {  	v3 =	vld [tilespmem:$0x0];
	_ =	sdelay $0x4  }
0x16: {  	v4 =	vshll.u32 v3, $0x3  }
0x17: {  	v3 =	vand.u32 $0x7, v3;
	v4 =	vand.u32 $0xFFFFFFC0, v4  }
0x18: {  	v3 =	vor.u32 v3, v4  }
0x19: {  	v4 =	vperm.xlane v3, v0;
	_ =	sdelay $0x1  }
0x1a: {  	v4 =	vadd.s32 v1, v4;
	_ =	sdelay $0x3  }
0x1b: {  	s29 =	simm.s32 $0x80  }
0x1c: {  	[tilespmem:s29], [sflag:$0x1] =	stream.indirect_vreg.gather [hbm4b:s5+s22], $0x80, v4, vm0, $0xb8;
	[tilespmem:$0x18080] =	vst v63  }
0x1d: {  	s30 =	simm.s32 $0x880;
	v3 =	vperm.xlane v3, v2  }
0x1e: {  	[tilespmem:s30], [sflag:$0x1] =	stream.indirect_vreg.gather [hbm4b:s7+s22], $0x80, v4, vm0, $0xb8;
	[tilespmem:$0x18080] =	vst v63  }
0x1f: {  	s31 =	simm.s32 $0x1080;
	v3 =	vadd.s32 v1, v3  }
0x20: {  	[tilespmem:s31], [sflag:$0x1] =	stream.indirect_vreg.gather [hbm4b:s8+s22], $0x80, v4, vm0, $0xb8;
	[tilespmem:$0x18080] =	vst v63  }
0x21: {  	s4 =	simm.s32 $0x1880  }
0x22: {  	[tilespmem:s4], [sflag:$0x1] =	stream.indirect_vreg.gather [hbm4b:s9+s22], $0x80, v4, vm0, $0xb8;
	[tilespmem:$0x18080] =	vst v63  }
0x23: {  	s23 =	simm.s32 $0x2080  }
0x24: {  	[tilespmem:s23], [sflag:$0x1] =	stream.indirect_vreg.gather [hbm4b:s5+s22], $0x80, v3, vm0, $0xb8;
	[tilespmem:$0x18080] =	vst v63  }
0x25: {  	s24 =	simm.s32 $0x2880  }
0x26: {  	[tilespmem:s24], [sflag:$0x1] =	stream.indirect_vreg.gather [hbm4b:s7+s22], $0x80, v3, vm0, $0xb8;
	[tilespmem:$0x18080] =	vst v63  }
0x27: {  	s25 =	simm.s32 $0x3080  }
0x28: {  	[tilespmem:s25], [sflag:$0x1] =	stream.indirect_vreg.gather [hbm4b:s8+s22], $0x80, v3, vm0, $0xb8;
	[tilespmem:$0x18080] =	vst v63  }
0x29: {  	s26 =	simm.s32 $0x3880  }
0x2a: {  	[tilespmem:s26], [sflag:$0x1] =	stream.indirect_vreg.gather [hbm4b:s9+s22], $0x80, v3, vm0, $0xb8;
	[tilespmem:$0x18080] =	vst v63  }
0x2b: {  	v3 =	vld [tilespmem:$0x10];
	_ =	sdelay $0x4  }
0x2c: {  	v61 =	vshll.u32 v3, $0x3  }
0x2d: {  	v3 =	vand.u32 $0x7, v3;
	v4 =	vand.u32 $0xFFFFFFC0, v61  }
0x2e: {  	v3 =	vor.u32 v3, v4  }
0x2f: {  	v4 =	vperm.xlane v3, v0;
	_ =	sdelay $0x1  }
0x30: {  	v4 =	vadd.s32 v1, v4;
	_ =	sdelay $0x3  }
0x31: {  	s28 =	simm.s32 $0x4080  }
0x32: {  	[tilespmem:s28], [sflag:$0x1] =	stream.indirect_vreg.gather [hbm4b:s5+s22], $0x80, v4, vm0, $0xb8;
	[tilespmem:$0x18080] =	vst v63  }
0x33: {  	s29 =	simm.s32 $0x4880;
	v3 =	vperm.xlane v3, v2  }
0x34: {  	[tilespmem:s29], [sflag:$0x1] =	stream.indirect_vreg.gather [hbm4b:s7+s22], $0x80, v4, vm0, $0xb8;
	[tilespmem:$0x18080] =	vst v63  }
0x35: {  	s30 =	simm.s32 $0x5080;
	v3 =	vadd.s32 v1, v3  }
0x36: {  	[tilespmem:s30], [sflag:$0x1] =	stream.indirect_vreg.gather [hbm4b:s8+s22], $0x80, v4, vm0, $0xb8;
	[tilespmem:$0x18080] =	vst v63  }
0x37: {  	s31 =	simm.s32 $0x5880  }
0x38: {  	[tilespmem:s31], [sflag:$0x1] =	stream.indirect_vreg.gather [hbm4b:s9+s22], $0x80, v4, vm0, $0xb8;
	[tilespmem:$0x18080] =	vst v63  }
0x39: {  	s4 =	simm.s32 $0x6080  }
0x3a: {  	[tilespmem:s4], [sflag:$0x1] =	stream.indirect_vreg.gather [hbm4b:s5+s22], $0x80, v3, vm0, $0xb8;
	[tilespmem:$0x18080] =	vst v63  }
0x3b: {  	s23 =	simm.s32 $0x6880  }
0x3c: {  	[tilespmem:s23], [sflag:$0x1] =	stream.indirect_vreg.gather [hbm4b:s7+s22], $0x80, v3, vm0, $0xb8;
	[tilespmem:$0x18080] =	vst v63  }
0x3d: {  	s24 =	simm.s32 $0x7080  }
0x3e: {  	[tilespmem:s24], [sflag:$0x1] =	stream.indirect_vreg.gather [hbm4b:s8+s22], $0x80, v3, vm0, $0xb8;
	[tilespmem:$0x18080] =	vst v63  }
0x3f: {  	s25 =	simm.s32 $0x7880  }
0x40: {  	[tilespmem:s25], [sflag:$0x1] =	stream.indirect_vreg.gather [hbm4b:s9+s22], $0x80, v3, vm0, $0xb8;
	[tilespmem:$0x18080] =	vst v63  }
0x41: {  	v3 =	vld [tilespmem:$0x20];
	_ =	sdelay $0x4  }
0x42: {  	v62 =	vshll.u32 v3, $0x3  }
0x43: {  	v3 =	vand.u32 $0x7, v3;
	v4 =	vand.u32 $0xFFFFFFC0, v62  }
0x44: {  	v3 =	vor.u32 v3, v4  }
0x45: {  	v4 =	vperm.xlane v3, v0;
	_ =	sdelay $0x1  }
0x46: {  	v4 =	vadd.s32 v1, v4;
	_ =	sdelay $0x3  }
0x47: {  	s26 =	simm.s32 $0x8080  }
0x48: {  	[tilespmem:s26], [sflag:$0x1] =	stream.indirect_vreg.gather [hbm4b:s5+s22], $0x80, v4, vm0, $0xb8;
	[tilespmem:$0x18080] =	vst v63  }
0x49: {  	s28 =	simm.s32 $0x8880;
	v3 =	vperm.xlane v3, v2  }
0x4a: {  	[tilespmem:s28], [sflag:$0x1] =	stream.indirect_vreg.gather [hbm4b:s7+s22], $0x80, v4, vm0, $0xb8;
	[tilespmem:$0x18080] =	vst v63  }
0x4b: {  	s29 =	simm.s32 $0x9080;
	v3 =	vadd.s32 v1, v3  }
0x4c: {  	[tilespmem:s29], [sflag:$0x1] =	stream.indirect_vreg.gather [hbm4b:s8+s22], $0x80, v4, vm0, $0xb8;
	[tilespmem:$0x18080] =	vst v63  }
0x4d: {  	s30 =	simm.s32 $0x9880  }
0x4e: {  	[tilespmem:s30], [sflag:$0x1] =	stream.indirect_vreg.gather [hbm4b:s9+s22], $0x80, v4, vm0, $0xb8;
	[tilespmem:$0x18080] =	vst v63  }
0x4f: {  	s31 =	simm.s32 $0xA080  }
0x50: {  	[tilespmem:s31], [sflag:$0x1] =	stream.indirect_vreg.gather [hbm4b:s5+s22], $0x80, v3, vm0, $0xb8;
	[tilespmem:$0x18080] =	vst v63  }
0x51: {  	_ = 	snop  }
0x52: {  	[tilespmem:s10], [sflag:$0x1] =	stream.indirect_vreg.gather [hbm4b:s7+s22], $0x80, v3, vm0, $0xb8;
	[tilespmem:$0x18080] =	vst v63  }
0x53: {  	_ = 	snop  }
0x54: {  	[tilespmem:s1], [sflag:$0x1] =	stream.indirect_vreg.gather [hbm4b:s8+s22], $0x80, v3, vm0, $0xb8;
	[tilespmem:$0x18080] =	vst v63  }
0x55: {  	_ = 	snop  }
0x56: {  	[tilespmem:s2], [sflag:$0x1] =	stream.indirect_vreg.gather [hbm4b:s9+s22], $0x80, v3, vm0, $0xb8;
	[tilespmem:$0x18080] =	vst v63  }
0x57: {  	v3 =	vld [tilespmem:$0x30];
	_ =	sdelay $0x4  }
0x58: {  	v63 =	vshll.u32 v3, $0x3  }
0x59: {  	v3 =	vand.u32 $0x7, v3;
	v4 =	vand.u32 $0xFFFFFFC0, v63  }
0x5a: {  	v3 =	vor.u32 v3, v4  }
0x5b: {  	v4 =	vperm.xlane v3, v0;
	_ =	sdelay $0x1  }
0x5c: {  	v4 =	vadd.s32 v1, v4;
	_ =	sdelay $0x4  }
0x5d: {  	[tilespmem:s3], [sflag:$0x1] =	stream.indirect_vreg.gather [hbm4b:s5+s22], $0x80, v4, vm0, $0xb8;
	[tilespmem:$0x18080] =	vst v63  }
0x5e: {  	v3 =	vperm.xlane v3, v2  }
0x5f: {  	[tilespmem:s12], [sflag:$0x1] =	stream.indirect_vreg.gather [hbm4b:s7+s22], $0x80, v4, vm0, $0xb8;
	[tilespmem:$0x18080] =	vst v63  }
0x60: {  	v3 =	vadd.s32 v1, v3  }
0x61: {  	[tilespmem:s13], [sflag:$0x1] =	stream.indirect_vreg.gather [hbm4b:s8+s22], $0x80, v4, vm0, $0xb8;
	[tilespmem:$0x18080] =	vst v63  }
0x62: {  	_ = 	snop  }
0x63: {  	[tilespmem:s14], [sflag:$0x1] =	stream.indirect_vreg.gather [hbm4b:s9+s22], $0x80, v4, vm0, $0xb8;
	[tilespmem:$0x18080] =	vst v63  }
0x64: {  	_ = 	snop  }
0x65: {  	[tilespmem:s15], [sflag:$0x1] =	stream.indirect_vreg.gather [hbm4b:s5+s22], $0x80, v3, vm0, $0xb8;
	[tilespmem:$0x18080] =	vst v63  }
0x66: {  	_ = 	snop  }
0x67: {  	[tilespmem:s16], [sflag:$0x1] =	stream.indirect_vreg.gather [hbm4b:s7+s22], $0x80, v3, vm0, $0xb8;
	[tilespmem:$0x18080] =	vst v63  }
0x68: {  	_ = 	snop  }
0x69: {  	[tilespmem:s17], [sflag:$0x1] =	stream.indirect_vreg.gather [hbm4b:s8+s22], $0x80, v3, vm0, $0xb8;
	[tilespmem:$0x18080] =	vst v63  }
0x6a: {  	_ = 	snop  }
0x6b: {  	[tilespmem:s18], [sflag:$0x1] =	stream.indirect_vreg.gather [hbm4b:s9+s22], $0x80, v3, vm0, $0xb8;
	[tilespmem:$0x18080] =	vst v63  }
0x6c: {  	_ =	swait.ge [sflag:s19], $0x10000  }
0x6d: {  	[sflag:s19] =	ssyncset.done $0x0  }
0x6e: {  	p1 =	por p0, p0;
	s23 =	simm.s32 $0x0;
	[sflag:s19] =	ssyncadd.s32 $0xFFFF0000  }
.LBB2_3:
0x6f: {  	s0 =	sshll.u32 s23, $0x8;
	s24 =	sshll.u32 s23, $0xB  }
0x70: {  	s24 =	sand.u32 $0xE000, s24;
	s0 =	sand.u32 $0x300, s0  }
0x71: {  	s0 =	sor.u32 s0, s24  }
0x72: {  	s24 =	sor.u32 $0x80, s0;
	s0 =	sand.u32 $0x1C00, s22  }
0x73: {  	s4 =	sand.u32 $0x70, s22;
	s25 =	sadd.s32 s0, s24  }
0x74: {  	s25 =	sadd.s32 s4, s25  }
0x75: {  	v3 =	vld [tilespmem:s25+$0x80]  }
0x76: {  	v4 =	vld [tilespmem:s25+$0x0]  }
0x77: {  	s26 =	sshll.u32 s23, $0xA;
	s28 =	sshll.u32 s23, $0x7  }
0x78: {  	s25 =	sand.u32 $0x6000, s26;
	s26 =	sand.u32 $0x380, s28  }
0x79: {  	s25 =	sor.u32 s26, s25  }
0x7a: {  	s28 =	simm.s32 $0x80;
	s26 =	simm.s32 $0x10;
	s25 =	sadd.s32 $0x10080, s25  }
0x7b: {  	s29 =	sand.u32 $0x70, s26;
	s26 =	sand.u32 $0x1C00, s28;
	s0 =	sadd.s32 s0, s25;
	v3 =	vadd.f32 v3, v4  }
0x7c: {  	s30 =	simm.s32 $0x20;
	s31 =	sadd.s32 s26, s24;
	s0 =	sadd.s32 s4, s0  }
.LBB2_4:
0x7d: {  	p0 =	sne.s32 s30, $0x3F0;
	s4 =	sadd.s32 s29, s31;
	[tilespmem:s0+$0x0] =	vst v3;
	s0 =	smov.u32 s29  }
0x7e: {  	v3 =	vld [tilespmem:s4+$0x80]  }
0x7f: {  	v4 =	vld [tilespmem:s4+$0x0];
	_ =	sdelay $0x1  }
.Ltmp0:
0x80: {  	(pc) =	sbr.rel @p0 .LBB2_4-.Ltmp0, $4  }
0x81: {  	_ = 	snop  }
0x82: {  	s28 =	sadd.s32 $0x80, s28  }
0x83: {  	s29 =	sand.u32 $0x70, s30;
	s4 =	sadd.s32 s26, s25;
	s26 =	sand.u32 $0x1C00, s28;
	v3 =	vadd.f32 v3, v4  }
0x84: {  	s30 =	sadd.s32 $0x10, s30;
	s31 =	sadd.s32 s26, s24;
	s0 =	sadd.s32 s0, s4  }
0x85: {  	s4 =	sadd.s32 s29, s31;
	[tilespmem:s0+$0x0] =	vst v3  }
0x86: {  	v3 =	vld [tilespmem:s4+$0x80]  }
0x87: {  	v4 =	vld [tilespmem:s4+$0x0]  }
0x88: {  	s23 =	sadd.s32 $0x1, s23  }
0x89: {  	p0 =	sne.s32 s23, $0x20  }
.Ltmp1:
0x8a: {  	_ = 	snop;
	(pc) =	sbr.rel @p0 .LBB2_3-.Ltmp1, $4  }
0x8b: {  	_ = 	snop  }
0x8c: {  	s31 =	sadd.s32 s26, s25;
	v3 =	vadd.f32 v3, v4  }
0x8d: {  	s0 =	sadd.s32 s29, s31  }
0x8e: {  	[tilespmem:s0+$0x0] =	vst v3  }
0x8f: {  	s0 =	sshll.u32 s21, $0x7;
	s4 =	rddreg [dreg:$0x1]  }
.Ltmp2:
0x90: {  	s31 =	simm.s32 $0x0;
	s0 =	sadd.s32 s4, s0;
	(pc) =	sbr.rel @p1 .LBB2_2-.Ltmp2, $4  }
0x91: {  	[hbm4b:s0+s31] =	stream.linear.scatter [tilespmem:s20], [sflag:$0x2], $0x8000, $0x38;
	[tilespmem:$0x18080] =	vst v63  }
0x92: {  	_ =	swait.ge [sflag:s11], $0x8000  }
0x93: {  	[sflag:s11] =	ssyncset.done $0x0  }
0x94: {  	p0 =	por $0x0, $0x0;
	s0 =	simm.s32 $0x20;
	[sflag:s11] =	ssyncadd.s32 $0xFFFF8000  }
0x95: {  	s4 =	rddreg [dreg:$0x4]  }
0x96: {  	s0 =	rddreg [dreg:$0x3];
	s4 =	sadd.s32 $0x1, s4  }
0x97: {  	p0 =	sne.s32 s4, s0  }
.Ltmp3:
0x98: {  	_ = 	snop;
	(pc) =	sbr.rel @p0 .LBB2_1-.Ltmp3, $1  }
0x99: {  	_ =	sdelay $0x3  }
0x9a: {  	_ =	sfence.sel $0x180000  }
0x9b: {  	[bflag:$0x0] =	sbarrier.arrive $0xFFFF  }
0x9c: {  	_ =	strace $0x9000004A  }
0x9d: {  	s0 =	stileid.u32;
	[bflag:$0x2] =	sbarrier.arrive $0xFFFF  }
0x9e: {  	p0 =	sne.s32 s0, $0x0;
	s0 =	rddreg [dreg:$0x2]  }
0x9f: {  	s0 =	sadd.s32 @!p0 $0x100000, s0  }
0xa0: {  	[sflag:s0] =	ssyncadd.tile.s32 @!p0 $0x1;
	_ =	shalt  }
.Lfunc_end2:
_tile_overlayer_lowered:
.L_overlay_start_2:
0xa1: {  	(tag) =	ssettag $0x2  }
0xa2: {  	s0 =	rddreg [dreg:$0x0];
	s2 =	stileid.u32  }
0xa3: {  	s1 =	rddreg [dreg:$0x1];
	p0 =	sne.s32 s2, $0x0  }
0xa4: {  	s3 =	rddreg [dreg:$0x2];
	[bflag:$0x3] =	sbarrier.arrive $0xFFFF;
	s2 =	simm.s32 @!p0 $0x1C02  }
0xa5: {  	[timem:s3], [sflag:s2] =	dma.local @!p0 [hbm:s0], s1  }
0xa6: {  	s0 =	simm.s32 @!p0 $0x2  }
0xa7: {  	_ =	swait.ge @!p0 [sflag:s0], s1  }
0xa8: {  	s1 =	ssub.s32 @!p0 $0x0, s1;
	[sflag:s0] =	ssyncset.done @!p0 $0x0  }
0xa9: {  	[sflag:s0] =	ssyncadd.s32 @!p0 s1  }
0xaa: {  	[bflag:$0x3] =	sbarrier.arrive $0xFFFF  }
0xab: {  	_ =	shalt  }

</sc_bundles>
